<compile_context>
chip_gen: v7x
topology: tpu7x:2x2x1
jax: 0.10.2.dev20260603
libtpu: 0.0.44.dev20260713+nightly
codegen_flags: <defaults>
</compile_context>

<pallas_src>
import functools

import jax
import jax.numpy as jnp
from jax import lax
from jax.experimental import pallas as pl
from jax.experimental.pallas import tpu as pltpu
from jax.experimental.pallas import tpu_sc as plsc

_N = 676
_E = 8192
_ROWS = 680
_PLANES = 6
_PLANE = _ROWS * 128
_HPLANES = _PLANES // 2
_HFLAT = _HPLANES * _PLANE
_HCHUNK = _HFLAT // 16
_EPT = _E // 16


def _sc_body(src_hbm, dst_hbm, w_hbm, zeros_hbm, m_out, srcv, dstv, wv, midx,
             zbuf, sem, m_sp):
    c = lax.axis_index("c")
    s = lax.axis_index("s")
    base = s * _EPT

    pltpu.sync_copy(src_hbm.at[pl.ds(base, _EPT)], srcv)
    pltpu.sync_copy(dst_hbm.at[pl.ds(base, _EPT)], dstv)
    for j in range(4):
        pltpu.sync_copy(w_hbm.at[pl.ds(base + j * 128, 128)], wv.at[j])

    pltpu.sync_copy(zeros_hbm.at[pl.ds(0, _HCHUNK)], zbuf)
    pltpu.sync_copy(zbuf, m_sp.at[pl.ds(s * _HCHUNK, _HCHUNK)])

    lane = lax.iota(jnp.int32, 16)
    for j in range(4):
        for k in range(8):
            sl = pl.ds(k * 16, 16)
            fl = pl.ds(j * 128 + k * 16, 16)
            sv = srcv[fl]
            dv = dstv[fl]
            lp = (dv >> 7) - _HPLANES * c
            mine = (lp >= 0) & (lp < _HPLANES)
            midx[j, sl] = jnp.where(mine,
                                    lp * _PLANE + sv * 128 + (dv & 127),
                                    _HFLAT + k * 16 + lane)

    plsc.subcore_barrier()

    for j in range(4):
        pltpu.sync_copy(wv.at[j], m_sp.at[midx.at[j]], add=True)

    plsc.subcore_barrier()

    pltpu.sync_copy(m_sp.at[pl.ds(s * _HCHUNK, _HCHUNK)], zbuf)
    pltpu.sync_copy(zbuf, m_out.at[pl.ds(c * _HFLAT + s * _HCHUNK, _HCHUNK)])


@functools.lru_cache(maxsize=1)
def _sc_scatter_adj():
    return pl.kernel(
        _sc_body,
        out_type=jax.ShapeDtypeStruct((_PLANES * _PLANE,), jnp.float32),
        mesh=plsc.VectorSubcoreMesh(core_axis_name="c", subcore_axis_name="s"),
        scratch_types=[
            pltpu.VMEM((_EPT,), jnp.int32),
            pltpu.VMEM((_EPT,), jnp.int32),
            pltpu.VMEM((4, 128), jnp.float32),
            pltpu.VMEM((4, 128), jnp.int32),
            pltpu.VMEM((_HCHUNK,), jnp.float32),
            pltpu.SemaphoreType.DMA,
            pltpu.VMEM_SHARED((_HFLAT + 128,), jnp.float32),
        ],
    )


def _tc_body(x_ref, m_ref, w1_ref, b1_ref, w2_ref, b2_ref,
             wlin_ref, blin_ref, out_ref, ms_ref):
    @pl.when(pl.program_id(0) == 0)
    def _():
        planes = []
        degs = []
        for k in range(_PLANES):
            mk = m_ref[_ROWS * k:_ROWS * (k + 1), :]
            planes.append(mk)
            degs.append(jnp.sum(mk, axis=0, keepdims=True))
        deg = jnp.concatenate(degs, axis=1) + 1.0
        nid = lax.broadcasted_iota(jnp.int32, (1, _PLANES * 128), 1)
        dinv = jnp.where(nid < _N, lax.rsqrt(deg), 0.0)
        dinv_col = jnp.transpose(dinv)[:_ROWS, :]
        rows = lax.broadcasted_iota(jnp.int32, (_ROWS, 128), 0)
        cols = lax.broadcasted_iota(jnp.int32, (_ROWS, 128), 1)
        for k in range(_PLANES):
            eye_k = jnp.where(rows == 128 * k + cols, 1.0, 0.0)
            msk = dinv_col * (planes[k] + eye_k) * dinv[:, 128 * k:
                                                        128 * (k + 1)]
            ms_ref[:, 128 * k:128 * (k + 1)] = msk.astype(jnp.bfloat16)

    w1 = w1_ref[0, 0]
    b1 = b1_ref[0, 0]
    w2 = w2_ref[0, 0]
    b2 = b2_ref[0, 0]
    blin = blin_ref[0, 0]

    def conv(h):
        return jnp.dot(h, ms_ref[:_N, :],
                       preferred_element_type=jnp.float32)

    h = x_ref[...]
    h = jnp.maximum(conv(h) * w1 + b1, 0.0)[:, :_N].astype(jnp.bfloat16)
    h = jnp.maximum(conv(h) * w2 + b2, 0.0)[:, :_N].astype(jnp.bfloat16)
    o = jnp.dot(h, wlin_ref[...], preferred_element_type=jnp.float32)
    out_ref[...] = jnp.maximum(o + blin, 0.0)


def kernel(x, edge_index, edge_weight, W1, b1, W2, b2, Wlin, blin):
    B = x.shape[0]
    zeros = jnp.zeros((_HCHUNK,), jnp.float32)
    m_flat = _sc_scatter_adj()(edge_index[0], edge_index[1], edge_weight,
                               zeros)
    m2d = m_flat.reshape(_PLANES * _ROWS, 128)

    bm = 1024
    grid = (B // bm,)
    out = pl.pallas_call(
        _tc_body,
        grid=grid,
        in_specs=[
            pl.BlockSpec((bm, _N), lambda i: (i, 0)),
            pl.BlockSpec((_PLANES * _ROWS, 128), lambda i: (0, 0)),
            pl.BlockSpec(memory_space=pltpu.SMEM),
            pl.BlockSpec(memory_space=pltpu.SMEM),
            pl.BlockSpec(memory_space=pltpu.SMEM),
            pl.BlockSpec(memory_space=pltpu.SMEM),
            pl.BlockSpec((_N, 1), lambda i: (0, 0)),
            pl.BlockSpec(memory_space=pltpu.SMEM),
        ],
        out_specs=pl.BlockSpec((bm, 1), lambda i: (i, 0)),
        out_shape=jax.ShapeDtypeStruct((B, 1), jnp.float32),
        scratch_shapes=[pltpu.VMEM((_ROWS, _PLANES * 128), jnp.bfloat16)],
    )(
        x.astype(jnp.bfloat16), m2d,
        W1.reshape(1, 1), b1.reshape(1, 1),
        W2.reshape(1, 1), b2.reshape(1, 1),
        Wlin.astype(jnp.bfloat16), blin.reshape(1, 1),
    )
    return out

# --- scband reference (transcript-rebuilt; emitter-appended) ---
"""Pipeline reference for scband-gnn-73993696575886 (READ-ONLY COPY).

The authoritative reference and input builder live on the scoring server;
editing this copy changes nothing except your own understanding.
"""

import jax, jax.numpy as jnp
import numpy as np

N = 676
E = 8192
B = 4096


def setup_inputs(seed: int = 0) -> dict:
    key = jax.random.key(seed)
    ks = jax.random.split(key, 8)
    x = jax.random.normal(ks[0], (B, N), dtype=jnp.float32)
    edge_index = jax.random.randint(ks[1], (2, E), 0, N, dtype=jnp.int32)
    edge_weight = jax.random.uniform(ks[2], (E,), dtype=jnp.float32)
    W1 = jax.random.normal(ks[3], (1, 1), dtype=jnp.float32)
    b1 = jnp.zeros((1,), dtype=jnp.float32)
    W2 = jax.random.normal(ks[4], (1, 1), dtype=jnp.float32)
    b2 = jnp.zeros((1,), dtype=jnp.float32)
    Wlin = jax.random.normal(ks[5], (N, 1), dtype=jnp.float32) * 0.02
    blin = jnp.zeros((1,), dtype=jnp.float32)
    return {"x": x, "edge_index": edge_index, "edge_weight": edge_weight,
            "W1": W1, "b1": b1, "W2": W2, "b2": b2, "Wlin": Wlin, "blin": blin}


def _gcn_conv(x, edge_index, edge_weight, W, b):
    # x: [B, N, C_in]; faithful PyG GCNConv: add self-loops + symmetric norm
    n = x.shape[1]
    src = edge_index[0]
    dst = edge_index[1]
    loop = jnp.arange(n, dtype=edge_index.dtype)
    src2 = jnp.concatenate([src, loop])
    dst2 = jnp.concatenate([dst, loop])
    w2 = jnp.concatenate([edge_weight, jnp.ones((n,), dtype=edge_weight.dtype)])
    deg = jnp.zeros((n,), dtype=edge_weight.dtype).at[dst2].add(w2)
    deg_safe = jnp.where(deg > 0, deg, 1.0)
    dinv = jnp.where(deg > 0, jax.lax.rsqrt(deg_safe), 0.0)
    norm = dinv[src2] * w2 * dinv[dst2]
    xw = x @ W  # [B, N, C_out]
    msgs = jnp.take(xw, src2, axis=1) * norm[None, :, None]
    out = jnp.zeros_like(xw).at[:, dst2, :].add(msgs)
    return out + b


def reference(x, edge_index, edge_weight, W1, b1, W2, b2, Wlin, blin):
    h = x.reshape(-1, N, 1)
    h = jax.nn.relu(_gcn_conv(h, edge_index, edge_weight, W1, b1))
    h = jax.nn.relu(_gcn_conv(h, edge_index, edge_weight, W2, b2))
    h = h.reshape(-1, N)
    out = jax.nn.relu(h @ Wlin + blin)
    return out

if __name__ == "__main__":
    import jax
    _d = setup_inputs()
    print(jax.jit(kernel)(*tuple(_d.values())))

</pallas_src>

<mosaic_0001>
#map = affine_map<(d0, d1) -> (0)>
module attributes {stable_mosaic.version = 14 : i64} {
  func.func @_sc_body(%arg0: i32, %arg1: i32, %arg2: memref<8192xi32, #tpu.memory_space<hbm>>, %arg3: memref<8192xi32, #tpu.memory_space<hbm>>, %arg4: memref<8192xf32, #tpu.memory_space<hbm>>, %arg5: memref<16320xf32, #tpu.memory_space<hbm>>, %arg6: memref<522240xf32, #tpu.memory_space<hbm>>, %arg7: memref<512xi32, #tpu.memory_space<vmem>>, %arg8: memref<512xi32, #tpu.memory_space<vmem>>, %arg9: memref<4x128xf32, #tpu.memory_space<vmem>>, %arg10: memref<4x128xi32, #tpu.memory_space<vmem>>, %arg11: memref<16320xf32, #tpu.memory_space<vmem>>, %arg12: memref<!tpu.dma_semaphore, #tpu.memory_space<semaphore_mem>>, %arg13: memref<261248xf32, #tpu.memory_space<vmem_shared>>) attributes {dimension_semantics = [#tpu.dimension_semantics<core_parallel>, #tpu.dimension_semantics<subcore_parallel>], iteration_bounds = array<i64: 2, 16>, scalar_prefetch = 0 : i64, scratch_operands = 7 : i64, tpu.core_type = #tpu.core_type<sc_vector_subcore>, window_params = [{transform_indices = #map}, {transform_indices = #map}, {transform_indices = #map}, {transform_indices = #map}, {transform_indices = #map}]} {
    %mul3A = arith.constant 512 : i32
    %mul3A_0 = arith.muli %arg1, %mul3A : i32
    "tpu.region"() ({
      %run_scoped3A_1333 = tpu.sem_alloc : memref<!tpu.dma_semaphore, #tpu.memory_space<semaphore_mem>>
      %dma_start3A = tpu.memref_slice %arg2[%mul3A_0] : memref<8192xi32, #tpu.memory_space<hbm>> -> memref<512xi32, #tpu.memory_space<hbm>>
      %dma_start3A_1334 = tpu.memref_slice %arg2[%mul3A_0] : memref<8192xi32, #tpu.memory_space<hbm>> -> memref<512xi32, #tpu.memory_space<hbm>>
      tpu.enqueue_dma source(%dma_start3A_1334 : memref<512xi32, #tpu.memory_space<hbm>>) target(%arg7 : memref<512xi32, #tpu.memory_space<vmem>>) target_semaphore(%run_scoped3A_1333 : memref<!tpu.dma_semaphore, #tpu.memory_space<semaphore_mem>>)
      %dma_wait3A = tpu.memref_slice %arg2[%mul3A_0] : memref<8192xi32, #tpu.memory_space<hbm>> -> memref<512xi32, #tpu.memory_space<hbm>>
      %dma_wait3A_1335 = tpu.memref_slice %arg2[%mul3A_0] : memref<8192xi32, #tpu.memory_space<hbm>> -> memref<512xi32, #tpu.memory_space<hbm>>
      tpu.wait_dma2 semaphore(%run_scoped3A_1333 : memref<!tpu.dma_semaphore, #tpu.memory_space<semaphore_mem>>) src(%dma_wait3A_1335 : memref<512xi32, #tpu.memory_space<hbm>>) dst(%arg7 : memref<512xi32, #tpu.memory_space<vmem>>)
      tpu.yield
    }) : () -> ()
    "tpu.region"() ({
      %run_scoped3A_1333 = tpu.sem_alloc : memref<!tpu.dma_semaphore, #tpu.memory_space<semaphore_mem>>
      %dma_start3A = tpu.memref_slice %arg3[%mul3A_0] : memref<8192xi32, #tpu.memory_space<hbm>> -> memref<512xi32, #tpu.memory_space<hbm>>
      %dma_start3A_1334 = tpu.memref_slice %arg3[%mul3A_0] : memref<8192xi32, #tpu.memory_space<hbm>> -> memref<512xi32, #tpu.memory_space<hbm>>
      tpu.enqueue_dma source(%dma_start3A_1334 : memref<512xi32, #tpu.memory_space<hbm>>) target(%arg8 : memref<512xi32, #tpu.memory_space<vmem>>) target_semaphore(%run_scoped3A_1333 : memref<!tpu.dma_semaphore, #tpu.memory_space<semaphore_mem>>)
      %dma_wait3A = tpu.memref_slice %arg3[%mul3A_0] : memref<8192xi32, #tpu.memory_space<hbm>> -> memref<512xi32, #tpu.memory_space<hbm>>
      %dma_wait3A_1335 = tpu.memref_slice %arg3[%mul3A_0] : memref<8192xi32, #tpu.memory_space<hbm>> -> memref<512xi32, #tpu.memory_space<hbm>>
      tpu.wait_dma2 semaphore(%run_scoped3A_1333 : memref<!tpu.dma_semaphore, #tpu.memory_space<semaphore_mem>>) src(%dma_wait3A_1335 : memref<512xi32, #tpu.memory_space<hbm>>) dst(%arg8 : memref<512xi32, #tpu.memory_space<vmem>>)
      tpu.yield
    }) : () -> ()
    %add3A = arith.constant 0 : i32
    %add3A_1 = arith.addi %mul3A_0, %add3A : i32
    %run_scoped3A = arith.constant 0 : i32
    "tpu.region"() ({
      %run_scoped3A_1333 = tpu.sem_alloc : memref<!tpu.dma_semaphore, #tpu.memory_space<semaphore_mem>>
      %dma_start3A = arith.constant 0 : i32
      %dma_start3A_1334 = tpu.memref_slice %arg9[%run_scoped3A, %dma_start3A] : memref<4x128xf32, #tpu.memory_space<vmem>> -> memref<1x128xf32, #tpu.memory_space<vmem>>
      %dma_start3A_1335 = tpu.memref_squeeze %dma_start3A_1334 : memref<1x128xf32, #tpu.memory_space<vmem>> -> memref<128xf32, #tpu.memory_space<vmem>>
      %dma_start3A_1336 = tpu.memref_slice %arg4[%add3A_1] : memref<8192xf32, #tpu.memory_space<hbm>> -> memref<128xf32, #tpu.memory_space<hbm>>
      %dma_start3A_1337 = arith.constant 0 : i32
      %dma_start3A_1338 = tpu.memref_slice %arg9[%run_scoped3A, %dma_start3A_1337] : memref<4x128xf32, #tpu.memory_space<vmem>> -> memref<1x128xf32, #tpu.memory_space<vmem>>
      %dma_start3A_1339 = tpu.memref_squeeze %dma_start3A_1338 : memref<1x128xf32, #tpu.memory_space<vmem>> -> memref<128xf32, #tpu.memory_space<vmem>>
      %dma_start3A_1340 = tpu.memref_slice %arg4[%add3A_1] : memref<8192xf32, #tpu.memory_space<hbm>> -> memref<128xf32, #tpu.memory_space<hbm>>
      tpu.enqueue_dma source(%dma_start3A_1340 : memref<128xf32, #tpu.memory_space<hbm>>) target(%dma_start3A_1339 : memref<128xf32, #tpu.memory_space<vmem>>) target_semaphore(%run_scoped3A_1333 : memref<!tpu.dma_semaphore, #tpu.memory_space<semaphore_mem>>)
      %dma_wait3A = arith.constant 0 : i32
      %dma_wait3A_1341 = tpu.memref_slice %arg9[%run_scoped3A, %dma_wait3A] : memref<4x128xf32, #tpu.memory_space<vmem>> -> memref<1x128xf32, #tpu.memory_space<vmem>>
      %dma_wait3A_1342 = tpu.memref_squeeze %dma_wait3A_1341 : memref<1x128xf32, #tpu.memory_space<vmem>> -> memref<128xf32, #tpu.memory_space<vmem>>
      %dma_wait3A_1343 = tpu.memref_slice %arg4[%add3A_1] : memref<8192xf32, #tpu.memory_space<hbm>> -> memref<128xf32, #tpu.memory_space<hbm>>
      %dma_wait3A_1344 = arith.constant 0 : i32
      %dma_wait3A_1345 = tpu.memref_slice %arg9[%run_scoped3A, %dma_wait3A_1344] : memref<4x128xf32, #tpu.memory_space<vmem>> -> memref<1x128xf32, #tpu.memory_space<vmem>>
      %dma_wait3A_1346 = tpu.memref_squeeze %dma_wait3A_1345 : memref<1x128xf32, #tpu.memory_space<vmem>> -> memref<128xf32, #tpu.memory_space<vmem>>
      %dma_wait3A_1347 = tpu.memref_slice %arg4[%add3A_1] : memref<8192xf32, #tpu.memory_space<hbm>> -> memref<128xf32, #tpu.memory_space<hbm>>
      tpu.wait_dma2 semaphore(%run_scoped3A_1333 : memref<!tpu.dma_semaphore, #tpu.memory_space<semaphore_mem>>) src(%dma_wait3A_1347 : memref<128xf32, #tpu.memory_space<hbm>>) dst(%dma_wait3A_1346 : memref<128xf32, #tpu.memory_space<vmem>>)
      tpu.yield
    }) : () -> ()
    %add3A_2 = arith.constant 128 : i32
    %add3A_3 = arith.addi %mul3A_0, %add3A_2 : i32
    %run_scoped3A_4 = arith.constant 1 : i32
    "tpu.region"() ({
      %run_scoped3A_1333 = tpu.sem_alloc : memref<!tpu.dma_semaphore, #tpu.memory_space<semaphore_mem>>
      %dma_start3A = arith.constant 0 : i32
      %dma_start3A_1334 = tpu.memref_slice %arg9[%run_scoped3A_4, %dma_start3A] : memref<4x128xf32, #tpu.memory_space<vmem>> -> memref<1x128xf32, #tpu.memory_space<vmem>>
      %dma_start3A_1335 = tpu.memref_squeeze %dma_start3A_1334 : memref<1x128xf32, #tpu.memory_space<vmem>> -> memref<128xf32, #tpu.memory_space<vmem>>
      %dma_start3A_1336 = tpu.memref_slice %arg4[%add3A_3] : memref<8192xf32, #tpu.memory_space<hbm>> -> memref<128xf32, #tpu.memory_space<hbm>>
      %dma_start3A_1337 = arith.constant 0 : i32
      %dma_start3A_1338 = tpu.memref_slice %arg9[%run_scoped3A_4, %dma_start3A_1337] : memref<4x128xf32, #tpu.memory_space<vmem>> -> memref<1x128xf32, #tpu.memory_space<vmem>>
      %dma_start3A_1339 = tpu.memref_squeeze %dma_start3A_1338 : memref<1x128xf32, #tpu.memory_space<vmem>> -> memref<128xf32, #tpu.memory_space<vmem>>
      %dma_start3A_1340 = tpu.memref_slice %arg4[%add3A_3] : memref<8192xf32, #tpu.memory_space<hbm>> -> memref<128xf32, #tpu.memory_space<hbm>>
      tpu.enqueue_dma source(%dma_start3A_1340 : memref<128xf32, #tpu.memory_space<hbm>>) target(%dma_start3A_1339 : memref<128xf32, #tpu.memory_space<vmem>>) target_semaphore(%run_scoped3A_1333 : memref<!tpu.dma_semaphore, #tpu.memory_space<semaphore_mem>>)
      %dma_wait3A = arith.constant 0 : i32
      %dma_wait3A_1341 = tpu.memref_slice %arg9[%run_scoped3A_4, %dma_wait3A] : memref<4x128xf32, #tpu.memory_space<vmem>> -> memref<1x128xf32, #tpu.memory_space<vmem>>
      %dma_wait3A_1342 = tpu.memref_squeeze %dma_wait3A_1341 : memref<1x128xf32, #tpu.memory_space<vmem>> -> memref<128xf32, #tpu.memory_space<vmem>>
      %dma_wait3A_1343 = tpu.memref_slice %arg4[%add3A_3] : memref<8192xf32, #tpu.memory_space<hbm>> -> memref<128xf32, #tpu.memory_space<hbm>>
      %dma_wait3A_1344 = arith.constant 0 : i32
      %dma_wait3A_1345 = tpu.memref_slice %arg9[%run_scoped3A_4, %dma_wait3A_1344] : memref<4x128xf32, #tpu.memory_space<vmem>> -> memref<1x128xf32, #tpu.memory_space<vmem>>
      %dma_wait3A_1346 = tpu.memref_squeeze %dma_wait3A_1345 : memref<1x128xf32, #tpu.memory_space<vmem>> -> memref<128xf32, #tpu.memory_space<vmem>>
      %dma_wait3A_1347 = tpu.memref_slice %arg4[%add3A_3] : memref<8192xf32, #tpu.memory_space<hbm>> -> memref<128xf32, #tpu.memory_space<hbm>>
      tpu.wait_dma2 semaphore(%run_scoped3A_1333 : memref<!tpu.dma_semaphore, #tpu.memory_space<semaphore_mem>>) src(%dma_wait3A_1347 : memref<128xf32, #tpu.memory_space<hbm>>) dst(%dma_wait3A_1346 : memref<128xf32, #tpu.memory_space<vmem>>)
      tpu.yield
    }) : () -> ()
    %add3A_5 = arith.constant 256 : i32
    %add3A_6 = arith.addi %mul3A_0, %add3A_5 : i32
    %run_scoped3A_7 = arith.constant 2 : i32
    "tpu.region"() ({
      %run_scoped3A_1333 = tpu.sem_alloc : memref<!tpu.dma_semaphore, #tpu.memory_space<semaphore_mem>>
      %dma_start3A = arith.constant 0 : i32
      %dma_start3A_1334 = tpu.memref_slice %arg9[%run_scoped3A_7, %dma_start3A] : memref<4x128xf32, #tpu.memory_space<vmem>> -> memref<1x128xf32, #tpu.memory_space<vmem>>
      %dma_start3A_1335 = tpu.memref_squeeze %dma_start3A_1334 : memref<1x128xf32, #tpu.memory_space<vmem>> -> memref<128xf32, #tpu.memory_space<vmem>>
      %dma_start3A_1336 = tpu.memref_slice %arg4[%add3A_6] : memref<8192xf32, #tpu.memory_space<hbm>> -> memref<128xf32, #tpu.memory_space<hbm>>
      %dma_start3A_1337 = arith.constant 0 : i32
      %dma_start3A_1338 = tpu.memref_slice %arg9[%run_scoped3A_7, %dma_start3A_1337] : memref<4x128xf32, #tpu.memory_space<vmem>> -> memref<1x128xf32, #tpu.memory_space<vmem>>
      %dma_start3A_1339 = tpu.memref_squeeze %dma_start3A_1338 : memref<1x128xf32, #tpu.memory_space<vmem>> -> memref<128xf32, #tpu.memory_space<vmem>>
      %dma_start3A_1340 = tpu.memref_slice %arg4[%add3A_6] : memref<8192xf32, #tpu.memory_space<hbm>> -> memref<128xf32, #tpu.memory_space<hbm>>
      tpu.enqueue_dma source(%dma_start3A_1340 : memref<128xf32, #tpu.memory_space<hbm>>) target(%dma_start3A_1339 : memref<128xf32, #tpu.memory_space<vmem>>) target_semaphore(%run_scoped3A_1333 : memref<!tpu.dma_semaphore, #tpu.memory_space<semaphore_mem>>)
      %dma_wait3A = arith.constant 0 : i32
      %dma_wait3A_1341 = tpu.memref_slice %arg9[%run_scoped3A_7, %dma_wait3A] : memref<4x128xf32, #tpu.memory_space<vmem>> -> memref<1x128xf32, #tpu.memory_space<vmem>>
      %dma_wait3A_1342 = tpu.memref_squeeze %dma_wait3A_1341 : memref<1x128xf32, #tpu.memory_space<vmem>> -> memref<128xf32, #tpu.memory_space<vmem>>
      %dma_wait3A_1343 = tpu.memref_slice %arg4[%add3A_6] : memref<8192xf32, #tpu.memory_space<hbm>> -> memref<128xf32, #tpu.memory_space<hbm>>
      %dma_wait3A_1344 = arith.constant 0 : i32
      %dma_wait3A_1345 = tpu.memref_slice %arg9[%run_scoped3A_7, %dma_wait3A_1344] : memref<4x128xf32, #tpu.memory_space<vmem>> -> memref<1x128xf32, #tpu.memory_space<vmem>>
      %dma_wait3A_1346 = tpu.memref_squeeze %dma_wait3A_1345 : memref<1x128xf32, #tpu.memory_space<vmem>> -> memref<128xf32, #tpu.memory_space<vmem>>
      %dma_wait3A_1347 = tpu.memref_slice %arg4[%add3A_6] : memref<8192xf32, #tpu.memory_space<hbm>> -> memref<128xf32, #tpu.memory_space<hbm>>
      tpu.wait_dma2 semaphore(%run_scoped3A_1333 : memref<!tpu.dma_semaphore, #tpu.memory_space<semaphore_mem>>) src(%dma_wait3A_1347 : memref<128xf32, #tpu.memory_space<hbm>>) dst(%dma_wait3A_1346 : memref<128xf32, #tpu.memory_space<vmem>>)
      tpu.yield
    }) : () -> ()
    %add3A_8 = arith.constant 384 : i32
    %add3A_9 = arith.addi %mul3A_0, %add3A_8 : i32
    %run_scoped3A_10 = arith.constant 3 : i32
    "tpu.region"() ({
      %run_scoped3A_1333 = tpu.sem_alloc : memref<!tpu.dma_semaphore, #tpu.memory_space<semaphore_mem>>
      %dma_start3A = arith.constant 0 : i32
      %dma_start3A_1334 = tpu.memref_slice %arg9[%run_scoped3A_10, %dma_start3A] : memref<4x128xf32, #tpu.memory_space<vmem>> -> memref<1x128xf32, #tpu.memory_space<vmem>>
      %dma_start3A_1335 = tpu.memref_squeeze %dma_start3A_1334 : memref<1x128xf32, #tpu.memory_space<vmem>> -> memref<128xf32, #tpu.memory_space<vmem>>
      %dma_start3A_1336 = tpu.memref_slice %arg4[%add3A_9] : memref<8192xf32, #tpu.memory_space<hbm>> -> memref<128xf32, #tpu.memory_space<hbm>>
      %dma_start3A_1337 = arith.constant 0 : i32
      %dma_start3A_1338 = tpu.memref_slice %arg9[%run_scoped3A_10, %dma_start3A_1337] : memref<4x128xf32, #tpu.memory_space<vmem>> -> memref<1x128xf32, #tpu.memory_space<vmem>>
      %dma_start3A_1339 = tpu.memref_squeeze %dma_start3A_1338 : memref<1x128xf32, #tpu.memory_space<vmem>> -> memref<128xf32, #tpu.memory_space<vmem>>
      %dma_start3A_1340 = tpu.memref_slice %arg4[%add3A_9] : memref<8192xf32, #tpu.memory_space<hbm>> -> memref<128xf32, #tpu.memory_space<hbm>>
      tpu.enqueue_dma source(%dma_start3A_1340 : memref<128xf32, #tpu.memory_space<hbm>>) target(%dma_start3A_1339 : memref<128xf32, #tpu.memory_space<vmem>>) target_semaphore(%run_scoped3A_1333 : memref<!tpu.dma_semaphore, #tpu.memory_space<semaphore_mem>>)
      %dma_wait3A = arith.constant 0 : i32
      %dma_wait3A_1341 = tpu.memref_slice %arg9[%run_scoped3A_10, %dma_wait3A] : memref<4x128xf32, #tpu.memory_space<vmem>> -> memref<1x128xf32, #tpu.memory_space<vmem>>
      %dma_wait3A_1342 = tpu.memref_squeeze %dma_wait3A_1341 : memref<1x128xf32, #tpu.memory_space<vmem>> -> memref<128xf32, #tpu.memory_space<vmem>>
      %dma_wait3A_1343 = tpu.memref_slice %arg4[%add3A_9] : memref<8192xf32, #tpu.memory_space<hbm>> -> memref<128xf32, #tpu.memory_space<hbm>>
      %dma_wait3A_1344 = arith.constant 0 : i32
      %dma_wait3A_1345 = tpu.memref_slice %arg9[%run_scoped3A_10, %dma_wait3A_1344] : memref<4x128xf32, #tpu.memory_space<vmem>> -> memref<1x128xf32, #tpu.memory_space<vmem>>
      %dma_wait3A_1346 = tpu.memref_squeeze %dma_wait3A_1345 : memref<1x128xf32, #tpu.memory_space<vmem>> -> memref<128xf32, #tpu.memory_space<vmem>>
      %dma_wait3A_1347 = tpu.memref_slice %arg4[%add3A_9] : memref<8192xf32, #tpu.memory_space<hbm>> -> memref<128xf32, #tpu.memory_space<hbm>>
      tpu.wait_dma2 semaphore(%run_scoped3A_1333 : memref<!tpu.dma_semaphore, #tpu.memory_space<semaphore_mem>>) src(%dma_wait3A_1347 : memref<128xf32, #tpu.memory_space<hbm>>) dst(%dma_wait3A_1346 : memref<128xf32, #tpu.memory_space<vmem>>)
      tpu.yield
    }) : () -> ()
    "tpu.region"() ({
      %run_scoped3A_1333 = tpu.sem_alloc : memref<!tpu.dma_semaphore, #tpu.memory_space<semaphore_mem>>
      %dma_start3A = arith.constant 0 : i32
      %dma_start3A_1334 = tpu.memref_slice %arg5[%dma_start3A] : memref<16320xf32, #tpu.memory_space<hbm>> -> memref<16320xf32, #tpu.memory_space<hbm>>
      %dma_start3A_1335 = arith.constant 0 : i32
      %dma_start3A_1336 = tpu.memref_slice %arg5[%dma_start3A_1335] : memref<16320xf32, #tpu.memory_space<hbm>> -> memref<16320xf32, #tpu.memory_space<hbm>>
      tpu.enqueue_dma source(%dma_start3A_1336 : memref<16320xf32, #tpu.memory_space<hbm>>) target(%arg11 : memref<16320xf32, #tpu.memory_space<vmem>>) target_semaphore(%run_scoped3A_1333 : memref<!tpu.dma_semaphore, #tpu.memory_space<semaphore_mem>>)
      %dma_wait3A = arith.constant 0 : i32
      %dma_wait3A_1337 = tpu.memref_slice %arg5[%dma_wait3A] : memref<16320xf32, #tpu.memory_space<hbm>> -> memref<16320xf32, #tpu.memory_space<hbm>>
      %dma_wait3A_1338 = arith.constant 0 : i32
      %dma_wait3A_1339 = tpu.memref_slice %arg5[%dma_wait3A_1338] : memref<16320xf32, #tpu.memory_space<hbm>> -> memref<16320xf32, #tpu.memory_space<hbm>>
      tpu.wait_dma2 semaphore(%run_scoped3A_1333 : memref<!tpu.dma_semaphore, #tpu.memory_space<semaphore_mem>>) src(%dma_wait3A_1339 : memref<16320xf32, #tpu.memory_space<hbm>>) dst(%arg11 : memref<16320xf32, #tpu.memory_space<vmem>>)
      tpu.yield
    }) : () -> ()
    %mul3A_11 = arith.constant 16320 : i32
    %mul3A_12 = arith.muli %arg1, %mul3A_11 : i32
    "tpu.region"() ({
      %run_scoped3A_1333 = tpu.sem_alloc : memref<!tpu.dma_semaphore, #tpu.memory_space<semaphore_mem>>
      %dma_start3A = tpu.memref_slice %arg13[%mul3A_12] : memref<261248xf32, #tpu.memory_space<vmem_shared>> -> memref<16320xf32, #tpu.memory_space<vmem_shared>>
      %dma_start3A_1334 = tpu.memref_slice %arg13[%mul3A_12] : memref<261248xf32, #tpu.memory_space<vmem_shared>> -> memref<16320xf32, #tpu.memory_space<vmem_shared>>
      tpu.enqueue_dma source(%arg11 : memref<16320xf32, #tpu.memory_space<vmem>>) target(%dma_start3A_1334 : memref<16320xf32, #tpu.memory_space<vmem_shared>>) target_semaphore(%run_scoped3A_1333 : memref<!tpu.dma_semaphore, #tpu.memory_space<semaphore_mem>>)
      %dma_wait3A = tpu.memref_slice %arg13[%mul3A_12] : memref<261248xf32, #tpu.memory_space<vmem_shared>> -> memref<16320xf32, #tpu.memory_space<vmem_shared>>
      %dma_wait3A_1335 = tpu.memref_slice %arg13[%mul3A_12] : memref<261248xf32, #tpu.memory_space<vmem_shared>> -> memref<16320xf32, #tpu.memory_space<vmem_shared>>
      tpu.wait_dma2 semaphore(%run_scoped3A_1333 : memref<!tpu.dma_semaphore, #tpu.memory_space<semaphore_mem>>) src(%arg11 : memref<16320xf32, #tpu.memory_space<vmem>>) dst(%dma_wait3A_1335 : memref<16320xf32, #tpu.memory_space<vmem_shared>>)
      tpu.yield
    }) : () -> ()
    %iota3A = tpu.iota {dimensions = array<i32: 0>} : vector<16xi32>
    %get3A = arith.constant 0 : index
    %get3A_13 = tpu.vector_load %arg7[%get3A] {strides = array<i32>} : memref<512xi32, #tpu.memory_space<vmem>>, vector<16xi32>,
    %get3A_14 = vector.shape_cast %get3A_13 : vector<16xi32> to vector<16xi32>
    %get3A_15 = arith.constant 0 : index
    %get3A_16 = tpu.vector_load %arg8[%get3A_15] {strides = array<i32>} : memref<512xi32, #tpu.memory_space<vmem>>, vector<16xi32>,
    %get3A_17 = vector.shape_cast %get3A_16 : vector<16xi32> to vector<16xi32>
    %shift_right_arithmetic3A = arith.constant 7 : i32
    %shift_right_arithmetic3A_18 = vector.broadcast %shift_right_arithmetic3A : i32 to vector<16xi32>
    %shift_right_arithmetic3A_19 = arith.shrsi %get3A_17, %shift_right_arithmetic3A_18 : vector<16xi32>
    %mul3A_20 = arith.constant 3 : i32
    %mul3A_21 = arith.muli %mul3A_20, %arg0 : i32
    %sub3A = vector.broadcast %mul3A_21 : i32 to vector<16xi32>
    %sub3A_22 = arith.subi %shift_right_arithmetic3A_19, %sub3A : vector<16xi32>
    %ge3A = arith.constant 0 : i32
    %ge3A_23 = vector.broadcast %ge3A : i32 to vector<16xi32>
    %ge3A_24 = arith.cmpi sge, %sub3A_22, %ge3A_23 : vector<16xi32>
    %lt3A = arith.constant 3 : i32
    %lt3A_25 = vector.broadcast %lt3A : i32 to vector<16xi32>
    %lt3A_26 = arith.cmpi slt, %sub3A_22, %lt3A_25 : vector<16xi32>
    %and3A = arith.andi %ge3A_24, %lt3A_26 : vector<16xi1>
    %mul3A_27 = arith.constant 87040 : i32
    %mul3A_28 = vector.broadcast %mul3A_27 : i32 to vector<16xi32>
    %mul3A_29 = arith.muli %sub3A_22, %mul3A_28 : vector<16xi32>
    %mul3A_30 = arith.constant 128 : i32
    %mul3A_31 = vector.broadcast %mul3A_30 : i32 to vector<16xi32>
    %mul3A_32 = arith.muli %get3A_14, %mul3A_31 : vector<16xi32>
    %add3A_33 = arith.addi %mul3A_29, %mul3A_32 : vector<16xi32>
    %and3A_34 = arith.constant 127 : i32
    %and3A_35 = vector.broadcast %and3A_34 : i32 to vector<16xi32>
    %and3A_36 = arith.andi %get3A_17, %and3A_35 : vector<16xi32>
    %add3A_37 = arith.addi %add3A_33, %and3A_36 : vector<16xi32>
    %add3A_38 = arith.constant 261120 : i32
    %add3A_39 = vector.broadcast %add3A_38 : i32 to vector<16xi32>
    %add3A_40 = arith.addi %add3A_39, %iota3A : vector<16xi32>
    %select_n3A = arith.select %and3A, %add3A_37, %add3A_40 : vector<16xi1>, vector<16xi32>
    %swap3A = arith.constant 0 : i32
    %swap3A_41 = arith.index_cast %swap3A : i32 to index
    %swap3A_42 = arith.constant 0 : index
    %swap3A_43 = tpu.vector_load %arg10[%swap3A_41, %swap3A_42] {strides = array<i32>} : memref<4x128xi32, #tpu.memory_space<vmem>>, vector<1x16xi32>,
    %swap3A_44 = vector.shape_cast %swap3A_43 : vector<1x16xi32> to vector<16xi32>
    %swap3A_45 = vector.shape_cast %select_n3A : vector<16xi32> to vector<1x16xi32>
    tpu.vector_store %arg10[%swap3A_41, %swap3A_42], %swap3A_45 {strides = array<i32>} : memref<4x128xi32, #tpu.memory_space<vmem>>, vector<1x16xi32>,
    %get3A_46 = arith.constant 16 : index
    %get3A_47 = tpu.vector_load %arg7[%get3A_46] {strides = array<i32>} : memref<512xi32, #tpu.memory_space<vmem>>, vector<16xi32>,
    %get3A_48 = vector.shape_cast %get3A_47 : vector<16xi32> to vector<16xi32>
    %get3A_49 = arith.constant 16 : index
    %get3A_50 = tpu.vector_load %arg8[%get3A_49] {strides = array<i32>} : memref<512xi32, #tpu.memory_space<vmem>>, vector<16xi32>,
    %get3A_51 = vector.shape_cast %get3A_50 : vector<16xi32> to vector<16xi32>
    %shift_right_arithmetic3A_52 = arith.constant 7 : i32
    %shift_right_arithmetic3A_53 = vector.broadcast %shift_right_arithmetic3A_52 : i32 to vector<16xi32>
    %shift_right_arithmetic3A_54 = arith.shrsi %get3A_51, %shift_right_arithmetic3A_53 : vector<16xi32>
    %mul3A_55 = arith.constant 3 : i32
    %mul3A_56 = arith.muli %mul3A_55, %arg0 : i32
    %sub3A_57 = vector.broadcast %mul3A_56 : i32 to vector<16xi32>
    %sub3A_58 = arith.subi %shift_right_arithmetic3A_54, %sub3A_57 : vector<16xi32>
    %ge3A_59 = arith.constant 0 : i32
    %ge3A_60 = vector.broadcast %ge3A_59 : i32 to vector<16xi32>
    %ge3A_61 = arith.cmpi sge, %sub3A_58, %ge3A_60 : vector<16xi32>
    %lt3A_62 = arith.constant 3 : i32
    %lt3A_63 = vector.broadcast %lt3A_62 : i32 to vector<16xi32>
    %lt3A_64 = arith.cmpi slt, %sub3A_58, %lt3A_63 : vector<16xi32>
    %and3A_65 = arith.andi %ge3A_61, %lt3A_64 : vector<16xi1>
    %mul3A_66 = arith.constant 87040 : i32
    %mul3A_67 = vector.broadcast %mul3A_66 : i32 to vector<16xi32>
    %mul3A_68 = arith.muli %sub3A_58, %mul3A_67 : vector<16xi32>
    %mul3A_69 = arith.constant 128 : i32
    %mul3A_70 = vector.broadcast %mul3A_69 : i32 to vector<16xi32>
    %mul3A_71 = arith.muli %get3A_48, %mul3A_70 : vector<16xi32>
    %add3A_72 = arith.addi %mul3A_68, %mul3A_71 : vector<16xi32>
    %and3A_73 = arith.constant 127 : i32
    %and3A_74 = vector.broadcast %and3A_73 : i32 to vector<16xi32>
    %and3A_75 = arith.andi %get3A_51, %and3A_74 : vector<16xi32>
    %add3A_76 = arith.addi %add3A_72, %and3A_75 : vector<16xi32>
    %add3A_77 = arith.constant 261136 : i32
    %add3A_78 = vector.broadcast %add3A_77 : i32 to vector<16xi32>
    %add3A_79 = arith.addi %add3A_78, %iota3A : vector<16xi32>
    %select_n3A_80 = arith.select %and3A_65, %add3A_76, %add3A_79 : vector<16xi1>, vector<16xi32>
    %swap3A_81 = arith.constant 0 : i32
    %swap3A_82 = arith.index_cast %swap3A_81 : i32 to index
    %swap3A_83 = arith.constant 16 : index
    %swap3A_84 = tpu.vector_load %arg10[%swap3A_82, %swap3A_83] {strides = array<i32>} : memref<4x128xi32, #tpu.memory_space<vmem>>, vector<1x16xi32>,
    %swap3A_85 = vector.shape_cast %swap3A_84 : vector<1x16xi32> to vector<16xi32>
    %swap3A_86 = vector.shape_cast %select_n3A_80 : vector<16xi32> to vector<1x16xi32>
    tpu.vector_store %arg10[%swap3A_82, %swap3A_83], %swap3A_86 {strides = array<i32>} : memref<4x128xi32, #tpu.memory_space<vmem>>, vector<1x16xi32>,
    %get3A_87 = arith.constant 32 : index
    %get3A_88 = tpu.vector_load %arg7[%get3A_87] {strides = array<i32>} : memref<512xi32, #tpu.memory_space<vmem>>, vector<16xi32>,
    %get3A_89 = vector.shape_cast %get3A_88 : vector<16xi32> to vector<16xi32>
    %get3A_90 = arith.constant 32 : index
    %get3A_91 = tpu.vector_load %arg8[%get3A_90] {strides = array<i32>} : memref<512xi32, #tpu.memory_space<vmem>>, vector<16xi32>,
    %get3A_92 = vector.shape_cast %get3A_91 : vector<16xi32> to vector<16xi32>
    %shift_right_arithmetic3A_93 = arith.constant 7 : i32
    %shift_right_arithmetic3A_94 = vector.broadcast %shift_right_arithmetic3A_93 : i32 to vector<16xi32>
    %shift_right_arithmetic3A_95 = arith.shrsi %get3A_92, %shift_right_arithmetic3A_94 : vector<16xi32>
    %mul3A_96 = arith.constant 3 : i32
    %mul3A_97 = arith.muli %mul3A_96, %arg0 : i32
    %sub3A_98 = vector.broadcast %mul3A_97 : i32 to vector<16xi32>
    %sub3A_99 = arith.subi %shift_right_arithmetic3A_95, %sub3A_98 : vector<16xi32>
    %ge3A_100 = arith.constant 0 : i32
    %ge3A_101 = vector.broadcast %ge3A_100 : i32 to vector<16xi32>
    %ge3A_102 = arith.cmpi sge, %sub3A_99, %ge3A_101 : vector<16xi32>
    %lt3A_103 = arith.constant 3 : i32
    %lt3A_104 = vector.broadcast %lt3A_103 : i32 to vector<16xi32>
    %lt3A_105 = arith.cmpi slt, %sub3A_99, %lt3A_104 : vector<16xi32>
    %and3A_106 = arith.andi %ge3A_102, %lt3A_105 : vector<16xi1>
    %mul3A_107 = arith.constant 87040 : i32
    %mul3A_108 = vector.broadcast %mul3A_107 : i32 to vector<16xi32>
    %mul3A_109 = arith.muli %sub3A_99, %mul3A_108 : vector<16xi32>
    %mul3A_110 = arith.constant 128 : i32
    %mul3A_111 = vector.broadcast %mul3A_110 : i32 to vector<16xi32>
    %mul3A_112 = arith.muli %get3A_89, %mul3A_111 : vector<16xi32>
    %add3A_113 = arith.addi %mul3A_109, %mul3A_112 : vector<16xi32>
    %and3A_114 = arith.constant 127 : i32
    %and3A_115 = vector.broadcast %and3A_114 : i32 to vector<16xi32>
    %and3A_116 = arith.andi %get3A_92, %and3A_115 : vector<16xi32>
    %add3A_117 = arith.addi %add3A_113, %and3A_116 : vector<16xi32>
    %add3A_118 = arith.constant 261152 : i32
    %add3A_119 = vector.broadcast %add3A_118 : i32 to vector<16xi32>
    %add3A_120 = arith.addi %add3A_119, %iota3A : vector<16xi32>
    %select_n3A_121 = arith.select %and3A_106, %add3A_117, %add3A_120 : vector<16xi1>, vector<16xi32>
    %swap3A_122 = arith.constant 0 : i32
    %swap3A_123 = arith.index_cast %swap3A_122 : i32 to index
    %swap3A_124 = arith.constant 32 : index
    %swap3A_125 = tpu.vector_load %arg10[%swap3A_123, %swap3A_124] {strides = array<i32>} : memref<4x128xi32, #tpu.memory_space<vmem>>, vector<1x16xi32>,
    %swap3A_126 = vector.shape_cast %swap3A_125 : vector<1x16xi32> to vector<16xi32>
    %swap3A_127 = vector.shape_cast %select_n3A_121 : vector<16xi32> to vector<1x16xi32>
    tpu.vector_store %arg10[%swap3A_123, %swap3A_124], %swap3A_127 {strides = array<i32>} : memref<4x128xi32, #tpu.memory_space<vmem>>, vector<1x16xi32>,
    %get3A_128 = arith.constant 48 : index
    %get3A_129 = tpu.vector_load %arg7[%get3A_128] {strides = array<i32>} : memref<512xi32, #tpu.memory_space<vmem>>, vector<16xi32>,
    %get3A_130 = vector.shape_cast %get3A_129 : vector<16xi32> to vector<16xi32>
    %get3A_131 = arith.constant 48 : index
    %get3A_132 = tpu.vector_load %arg8[%get3A_131] {strides = array<i32>} : memref<512xi32, #tpu.memory_space<vmem>>, vector<16xi32>,
    %get3A_133 = vector.shape_cast %get3A_132 : vector<16xi32> to vector<16xi32>
    %shift_right_arithmetic3A_134 = arith.constant 7 : i32
    %shift_right_arithmetic3A_135 = vector.broadcast %shift_right_arithmetic3A_134 : i32 to vector<16xi32>
    %shift_right_arithmetic3A_136 = arith.shrsi %get3A_133, %shift_right_arithmetic3A_135 : vector<16xi32>
    %mul3A_137 = arith.constant 3 : i32
    %mul3A_138 = arith.muli %mul3A_137, %arg0 : i32
    %sub3A_139 = vector.broadcast %mul3A_138 : i32 to vector<16xi32>
    %sub3A_140 = arith.subi %shift_right_arithmetic3A_136, %sub3A_139 : vector<16xi32>
    %ge3A_141 = arith.constant 0 : i32
    %ge3A_142 = vector.broadcast %ge3A_141 : i32 to vector<16xi32>
    %ge3A_143 = arith.cmpi sge, %sub3A_140, %ge3A_142 : vector<16xi32>
    %lt3A_144 = arith.constant 3 : i32
    %lt3A_145 = vector.broadcast %lt3A_144 : i32 to vector<16xi32>
    %lt3A_146 = arith.cmpi slt, %sub3A_140, %lt3A_145 : vector<16xi32>
    %and3A_147 = arith.andi %ge3A_143, %lt3A_146 : vector<16xi1>
    %mul3A_148 = arith.constant 87040 : i32
    %mul3A_149 = vector.broadcast %mul3A_148 : i32 to vector<16xi32>
    %mul3A_150 = arith.muli %sub3A_140, %mul3A_149 : vector<16xi32>
    %mul3A_151 = arith.constant 128 : i32
    %mul3A_152 = vector.broadcast %mul3A_151 : i32 to vector<16xi32>
    %mul3A_153 = arith.muli %get3A_130, %mul3A_152 : vector<16xi32>
    %add3A_154 = arith.addi %mul3A_150, %mul3A_153 : vector<16xi32>
    %and3A_155 = arith.constant 127 : i32
    %and3A_156 = vector.broadcast %and3A_155 : i32 to vector<16xi32>
    %and3A_157 = arith.andi %get3A_133, %and3A_156 : vector<16xi32>
    %add3A_158 = arith.addi %add3A_154, %and3A_157 : vector<16xi32>
    %add3A_159 = arith.constant 261168 : i32
    %add3A_160 = vector.broadcast %add3A_159 : i32 to vector<16xi32>
    %add3A_161 = arith.addi %add3A_160, %iota3A : vector<16xi32>
    %select_n3A_162 = arith.select %and3A_147, %add3A_158, %add3A_161 : vector<16xi1>, vector<16xi32>
    %swap3A_163 = arith.constant 0 : i32
    %swap3A_164 = arith.index_cast %swap3A_163 : i32 to index
    %swap3A_165 = arith.constant 48 : index
    %swap3A_166 = tpu.vector_load %arg10[%swap3A_164, %swap3A_165] {strides = array<i32>} : memref<4x128xi32, #tpu.memory_space<vmem>>, vector<1x16xi32>,
    %swap3A_167 = vector.shape_cast %swap3A_166 : vector<1x16xi32> to vector<16xi32>
    %swap3A_168 = vector.shape_cast %select_n3A_162 : vector<16xi32> to vector<1x16xi32>
    tpu.vector_store %arg10[%swap3A_164, %swap3A_165], %swap3A_168 {strides = array<i32>} : memref<4x128xi32, #tpu.memory_space<vmem>>, vector<1x16xi32>,
    %get3A_169 = arith.constant 64 : index
    %get3A_170 = tpu.vector_load %arg7[%get3A_169] {strides = array<i32>} : memref<512xi32, #tpu.memory_space<vmem>>, vector<16xi32>,
    %get3A_171 = vector.shape_cast %get3A_170 : vector<16xi32> to vector<16xi32>
    %get3A_172 = arith.constant 64 : index
    %get3A_173 = tpu.vector_load %arg8[%get3A_172] {strides = array<i32>} : memref<512xi32, #tpu.memory_space<vmem>>, vector<16xi32>,
    %get3A_174 = vector.shape_cast %get3A_173 : vector<16xi32> to vector<16xi32>
    %shift_right_arithmetic3A_175 = arith.constant 7 : i32
    %shift_right_arithmetic3A_176 = vector.broadcast %shift_right_arithmetic3A_175 : i32 to vector<16xi32>
    %shift_right_arithmetic3A_177 = arith.shrsi %get3A_174, %shift_right_arithmetic3A_176 : vector<16xi32>
    %mul3A_178 = arith.constant 3 : i32
    %mul3A_179 = arith.muli %mul3A_178, %arg0 : i32
    %sub3A_180 = vector.broadcast %mul3A_179 : i32 to vector<16xi32>
    %sub3A_181 = arith.subi %shift_right_arithmetic3A_177, %sub3A_180 : vector<16xi32>
    %ge3A_182 = arith.constant 0 : i32
    %ge3A_183 = vector.broadcast %ge3A_182 : i32 to vector<16xi32>
    %ge3A_184 = arith.cmpi sge, %sub3A_181, %ge3A_183 : vector<16xi32>
    %lt3A_185 = arith.constant 3 : i32
    %lt3A_186 = vector.broadcast %lt3A_185 : i32 to vector<16xi32>
    %lt3A_187 = arith.cmpi slt, %sub3A_181, %lt3A_186 : vector<16xi32>
    %and3A_188 = arith.andi %ge3A_184, %lt3A_187 : vector<16xi1>
    %mul3A_189 = arith.constant 87040 : i32
    %mul3A_190 = vector.broadcast %mul3A_189 : i32 to vector<16xi32>
    %mul3A_191 = arith.muli %sub3A_181, %mul3A_190 : vector<16xi32>
    %mul3A_192 = arith.constant 128 : i32
    %mul3A_193 = vector.broadcast %mul3A_192 : i32 to vector<16xi32>
    %mul3A_194 = arith.muli %get3A_171, %mul3A_193 : vector<16xi32>
    %add3A_195 = arith.addi %mul3A_191, %mul3A_194 : vector<16xi32>
    %and3A_196 = arith.constant 127 : i32
    %and3A_197 = vector.broadcast %and3A_196 : i32 to vector<16xi32>
    %and3A_198 = arith.andi %get3A_174, %and3A_197 : vector<16xi32>
    %add3A_199 = arith.addi %add3A_195, %and3A_198 : vector<16xi32>
    %add3A_200 = arith.constant 261184 : i32
    %add3A_201 = vector.broadcast %add3A_200 : i32 to vector<16xi32>
    %add3A_202 = arith.addi %add3A_201, %iota3A : vector<16xi32>
    %select_n3A_203 = arith.select %and3A_188, %add3A_199, %add3A_202 : vector<16xi1>, vector<16xi32>
    %swap3A_204 = arith.constant 0 : i32
    %swap3A_205 = arith.index_cast %swap3A_204 : i32 to index
    %swap3A_206 = arith.constant 64 : index
    %swap3A_207 = tpu.vector_load %arg10[%swap3A_205, %swap3A_206] {strides = array<i32>} : memref<4x128xi32, #tpu.memory_space<vmem>>, vector<1x16xi32>,
    %swap3A_208 = vector.shape_cast %swap3A_207 : vector<1x16xi32> to vector<16xi32>
    %swap3A_209 = vector.shape_cast %select_n3A_203 : vector<16xi32> to vector<1x16xi32>
    tpu.vector_store %arg10[%swap3A_205, %swap3A_206], %swap3A_209 {strides = array<i32>} : memref<4x128xi32, #tpu.memory_space<vmem>>, vector<1x16xi32>,
    %get3A_210 = arith.constant 80 : index
    %get3A_211 = tpu.vector_load %arg7[%get3A_210] {strides = array<i32>} : memref<512xi32, #tpu.memory_space<vmem>>, vector<16xi32>,
    %get3A_212 = vector.shape_cast %get3A_211 : vector<16xi32> to vector<16xi32>
    %get3A_213 = arith.constant 80 : index
    %get3A_214 = tpu.vector_load %arg8[%get3A_213] {strides = array<i32>} : memref<512xi32, #tpu.memory_space<vmem>>, vector<16xi32>,
    %get3A_215 = vector.shape_cast %get3A_214 : vector<16xi32> to vector<16xi32>
    %shift_right_arithmetic3A_216 = arith.constant 7 : i32
    %shift_right_arithmetic3A_217 = vector.broadcast %shift_right_arithmetic3A_216 : i32 to vector<16xi32>
    %shift_right_arithmetic3A_218 = arith.shrsi %get3A_215, %shift_right_arithmetic3A_217 : vector<16xi32>
    %mul3A_219 = arith.constant 3 : i32
    %mul3A_220 = arith.muli %mul3A_219, %arg0 : i32
    %sub3A_221 = vector.broadcast %mul3A_220 : i32 to vector<16xi32>
    %sub3A_222 = arith.subi %shift_right_arithmetic3A_218, %sub3A_221 : vector<16xi32>
    %ge3A_223 = arith.constant 0 : i32
    %ge3A_224 = vector.broadcast %ge3A_223 : i32 to vector<16xi32>
    %ge3A_225 = arith.cmpi sge, %sub3A_222, %ge3A_224 : vector<16xi32>
    %lt3A_226 = arith.constant 3 : i32
    %lt3A_227 = vector.broadcast %lt3A_226 : i32 to vector<16xi32>
    %lt3A_228 = arith.cmpi slt, %sub3A_222, %lt3A_227 : vector<16xi32>
    %and3A_229 = arith.andi %ge3A_225, %lt3A_228 : vector<16xi1>
    %mul3A_230 = arith.constant 87040 : i32
    %mul3A_231 = vector.broadcast %mul3A_230 : i32 to vector<16xi32>
    %mul3A_232 = arith.muli %sub3A_222, %mul3A_231 : vector<16xi32>
    %mul3A_233 = arith.constant 128 : i32
    %mul3A_234 = vector.broadcast %mul3A_233 : i32 to vector<16xi32>
    %mul3A_235 = arith.muli %get3A_212, %mul3A_234 : vector<16xi32>
    %add3A_236 = arith.addi %mul3A_232, %mul3A_235 : vector<16xi32>
    %and3A_237 = arith.constant 127 : i32
    %and3A_238 = vector.broadcast %and3A_237 : i32 to vector<16xi32>
    %and3A_239 = arith.andi %get3A_215, %and3A_238 : vector<16xi32>
    %add3A_240 = arith.addi %add3A_236, %and3A_239 : vector<16xi32>
    %add3A_241 = arith.constant 261200 : i32
    %add3A_242 = vector.broadcast %add3A_241 : i32 to vector<16xi32>
    %add3A_243 = arith.addi %add3A_242, %iota3A : vector<16xi32>
    %select_n3A_244 = arith.select %and3A_229, %add3A_240, %add3A_243 : vector<16xi1>, vector<16xi32>
    %swap3A_245 = arith.constant 0 : i32
    %swap3A_246 = arith.index_cast %swap3A_245 : i32 to index
    %swap3A_247 = arith.constant 80 : index
    %swap3A_248 = tpu.vector_load %arg10[%swap3A_246, %swap3A_247] {strides = array<i32>} : memref<4x128xi32, #tpu.memory_space<vmem>>, vector<1x16xi32>,
    %swap3A_249 = vector.shape_cast %swap3A_248 : vector<1x16xi32> to vector<16xi32>
    %swap3A_250 = vector.shape_cast %select_n3A_244 : vector<16xi32> to vector<1x16xi32>
    tpu.vector_store %arg10[%swap3A_246, %swap3A_247], %swap3A_250 {strides = array<i32>} : memref<4x128xi32, #tpu.memory_space<vmem>>, vector<1x16xi32>,
    %get3A_251 = arith.constant 96 : index
    %get3A_252 = tpu.vector_load %arg7[%get3A_251] {strides = array<i32>} : memref<512xi32, #tpu.memory_space<vmem>>, vector<16xi32>,
    %get3A_253 = vector.shape_cast %get3A_252 : vector<16xi32> to vector<16xi32>
    %get3A_254 = arith.constant 96 : index
    %get3A_255 = tpu.vector_load %arg8[%get3A_254] {strides = array<i32>} : memref<512xi32, #tpu.memory_space<vmem>>, vector<16xi32>,
    %get3A_256 = vector.shape_cast %get3A_255 : vector<16xi32> to vector<16xi32>
    %shift_right_arithmetic3A_257 = arith.constant 7 : i32
    %shift_right_arithmetic3A_258 = vector.broadcast %shift_right_arithmetic3A_257 : i32 to vector<16xi32>
    %shift_right_arithmetic3A_259 = arith.shrsi %get3A_256, %shift_right_arithmetic3A_258 : vector<16xi32>
    %mul3A_260 = arith.constant 3 : i32
    %mul3A_261 = arith.muli %mul3A_260, %arg0 : i32
    %sub3A_262 = vector.broadcast %mul3A_261 : i32 to vector<16xi32>
    %sub3A_263 = arith.subi %shift_right_arithmetic3A_259, %sub3A_262 : vector<16xi32>
    %ge3A_264 = arith.constant 0 : i32
    %ge3A_265 = vector.broadcast %ge3A_264 : i32 to vector<16xi32>
    %ge3A_266 = arith.cmpi sge, %sub3A_263, %ge3A_265 : vector<16xi32>
    %lt3A_267 = arith.constant 3 : i32
    %lt3A_268 = vector.broadcast %lt3A_267 : i32 to vector<16xi32>
    %lt3A_269 = arith.cmpi slt, %sub3A_263, %lt3A_268 : vector<16xi32>
    %and3A_270 = arith.andi %ge3A_266, %lt3A_269 : vector<16xi1>
    %mul3A_271 = arith.constant 87040 : i32
    %mul3A_272 = vector.broadcast %mul3A_271 : i32 to vector<16xi32>
    %mul3A_273 = arith.muli %sub3A_263, %mul3A_272 : vector<16xi32>
    %mul3A_274 = arith.constant 128 : i32
    %mul3A_275 = vector.broadcast %mul3A_274 : i32 to vector<16xi32>
    %mul3A_276 = arith.muli %get3A_253, %mul3A_275 : vector<16xi32>
    %add3A_277 = arith.addi %mul3A_273, %mul3A_276 : vector<16xi32>
    %and3A_278 = arith.constant 127 : i32
    %and3A_279 = vector.broadcast %and3A_278 : i32 to vector<16xi32>
    %and3A_280 = arith.andi %get3A_256, %and3A_279 : vector<16xi32>
    %add3A_281 = arith.addi %add3A_277, %and3A_280 : vector<16xi32>
    %add3A_282 = arith.constant 261216 : i32
    %add3A_283 = vector.broadcast %add3A_282 : i32 to vector<16xi32>
    %add3A_284 = arith.addi %add3A_283, %iota3A : vector<16xi32>
    %select_n3A_285 = arith.select %and3A_270, %add3A_281, %add3A_284 : vector<16xi1>, vector<16xi32>
    %swap3A_286 = arith.constant 0 : i32
    %swap3A_287 = arith.index_cast %swap3A_286 : i32 to index
    %swap3A_288 = arith.constant 96 : index
    %swap3A_289 = tpu.vector_load %arg10[%swap3A_287, %swap3A_288] {strides = array<i32>} : memref<4x128xi32, #tpu.memory_space<vmem>>, vector<1x16xi32>,
    %swap3A_290 = vector.shape_cast %swap3A_289 : vector<1x16xi32> to vector<16xi32>
    %swap3A_291 = vector.shape_cast %select_n3A_285 : vector<16xi32> to vector<1x16xi32>
    tpu.vector_store %arg10[%swap3A_287, %swap3A_288], %swap3A_291 {strides = array<i32>} : memref<4x128xi32, #tpu.memory_space<vmem>>, vector<1x16xi32>,
    %get3A_292 = arith.constant 112 : index
    %get3A_293 = tpu.vector_load %arg7[%get3A_292] {strides = array<i32>} : memref<512xi32, #tpu.memory_space<vmem>>, vector<16xi32>,
    %get3A_294 = vector.shape_cast %get3A_293 : vector<16xi32> to vector<16xi32>
    %get3A_295 = arith.constant 112 : index
    %get3A_296 = tpu.vector_load %arg8[%get3A_295] {strides = array<i32>} : memref<512xi32, #tpu.memory_space<vmem>>, vector<16xi32>,
    %get3A_297 = vector.shape_cast %get3A_296 : vector<16xi32> to vector<16xi32>
    %shift_right_arithmetic3A_298 = arith.constant 7 : i32
    %shift_right_arithmetic3A_299 = vector.broadcast %shift_right_arithmetic3A_298 : i32 to vector<16xi32>
    %shift_right_arithmetic3A_300 = arith.shrsi %get3A_297, %shift_right_arithmetic3A_299 : vector<16xi32>
    %mul3A_301 = arith.constant 3 : i32
    %mul3A_302 = arith.muli %mul3A_301, %arg0 : i32
    %sub3A_303 = vector.broadcast %mul3A_302 : i32 to vector<16xi32>
    %sub3A_304 = arith.subi %shift_right_arithmetic3A_300, %sub3A_303 : vector<16xi32>
    %ge3A_305 = arith.constant 0 : i32
    %ge3A_306 = vector.broadcast %ge3A_305 : i32 to vector<16xi32>
    %ge3A_307 = arith.cmpi sge, %sub3A_304, %ge3A_306 : vector<16xi32>
    %lt3A_308 = arith.constant 3 : i32
    %lt3A_309 = vector.broadcast %lt3A_308 : i32 to vector<16xi32>
    %lt3A_310 = arith.cmpi slt, %sub3A_304, %lt3A_309 : vector<16xi32>
    %and3A_311 = arith.andi %ge3A_307, %lt3A_310 : vector<16xi1>
    %mul3A_312 = arith.constant 87040 : i32
    %mul3A_313 = vector.broadcast %mul3A_312 : i32 to vector<16xi32>
    %mul3A_314 = arith.muli %sub3A_304, %mul3A_313 : vector<16xi32>
    %mul3A_315 = arith.constant 128 : i32
    %mul3A_316 = vector.broadcast %mul3A_315 : i32 to vector<16xi32>
    %mul3A_317 = arith.muli %get3A_294, %mul3A_316 : vector<16xi32>
    %add3A_318 = arith.addi %mul3A_314, %mul3A_317 : vector<16xi32>
    %and3A_319 = arith.constant 127 : i32
    %and3A_320 = vector.broadcast %and3A_319 : i32 to vector<16xi32>
    %and3A_321 = arith.andi %get3A_297, %and3A_320 : vector<16xi32>
    %add3A_322 = arith.addi %add3A_318, %and3A_321 : vector<16xi32>
    %add3A_323 = arith.constant 261232 : i32
    %add3A_324 = vector.broadcast %add3A_323 : i32 to vector<16xi32>
    %add3A_325 = arith.addi %add3A_324, %iota3A : vector<16xi32>
    %select_n3A_326 = arith.select %and3A_311, %add3A_322, %add3A_325 : vector<16xi1>, vector<16xi32>
    %swap3A_327 = arith.constant 0 : i32
    %swap3A_328 = arith.index_cast %swap3A_327 : i32 to index
    %swap3A_329 = arith.constant 112 : index
    %swap3A_330 = tpu.vector_load %arg10[%swap3A_328, %swap3A_329] {strides = array<i32>} : memref<4x128xi32, #tpu.memory_space<vmem>>, vector<1x16xi32>,
    %swap3A_331 = vector.shape_cast %swap3A_330 : vector<1x16xi32> to vector<16xi32>
    %swap3A_332 = vector.shape_cast %select_n3A_326 : vector<16xi32> to vector<1x16xi32>
    tpu.vector_store %arg10[%swap3A_328, %swap3A_329], %swap3A_332 {strides = array<i32>} : memref<4x128xi32, #tpu.memory_space<vmem>>, vector<1x16xi32>,
    %get3A_333 = arith.constant 128 : index
    %get3A_334 = tpu.vector_load %arg7[%get3A_333] {strides = array<i32>} : memref<512xi32, #tpu.memory_space<vmem>>, vector<16xi32>,
    %get3A_335 = vector.shape_cast %get3A_334 : vector<16xi32> to vector<16xi32>
    %get3A_336 = arith.constant 128 : index
    %get3A_337 = tpu.vector_load %arg8[%get3A_336] {strides = array<i32>} : memref<512xi32, #tpu.memory_space<vmem>>, vector<16xi32>,
    %get3A_338 = vector.shape_cast %get3A_337 : vector<16xi32> to vector<16xi32>
    %shift_right_arithmetic3A_339 = arith.constant 7 : i32
    %shift_right_arithmetic3A_340 = vector.broadcast %shift_right_arithmetic3A_339 : i32 to vector<16xi32>
    %shift_right_arithmetic3A_341 = arith.shrsi %get3A_338, %shift_right_arithmetic3A_340 : vector<16xi32>
    %mul3A_342 = arith.constant 3 : i32
    %mul3A_343 = arith.muli %mul3A_342, %arg0 : i32
    %sub3A_344 = vector.broadcast %mul3A_343 : i32 to vector<16xi32>
    %sub3A_345 = arith.subi %shift_right_arithmetic3A_341, %sub3A_344 : vector<16xi32>
    %ge3A_346 = arith.constant 0 : i32
    %ge3A_347 = vector.broadcast %ge3A_346 : i32 to vector<16xi32>
    %ge3A_348 = arith.cmpi sge, %sub3A_345, %ge3A_347 : vector<16xi32>
    %lt3A_349 = arith.constant 3 : i32
    %lt3A_350 = vector.broadcast %lt3A_349 : i32 to vector<16xi32>
    %lt3A_351 = arith.cmpi slt, %sub3A_345, %lt3A_350 : vector<16xi32>
    %and3A_352 = arith.andi %ge3A_348, %lt3A_351 : vector<16xi1>
    %mul3A_353 = arith.constant 87040 : i32
    %mul3A_354 = vector.broadcast %mul3A_353 : i32 to vector<16xi32>
    %mul3A_355 = arith.muli %sub3A_345, %mul3A_354 : vector<16xi32>
    %mul3A_356 = arith.constant 128 : i32
    %mul3A_357 = vector.broadcast %mul3A_356 : i32 to vector<16xi32>
    %mul3A_358 = arith.muli %get3A_335, %mul3A_357 : vector<16xi32>
    %add3A_359 = arith.addi %mul3A_355, %mul3A_358 : vector<16xi32>
    %and3A_360 = arith.constant 127 : i32
    %and3A_361 = vector.broadcast %and3A_360 : i32 to vector<16xi32>
    %and3A_362 = arith.andi %get3A_338, %and3A_361 : vector<16xi32>
    %add3A_363 = arith.addi %add3A_359, %and3A_362 : vector<16xi32>
    %add3A_364 = arith.constant 261120 : i32
    %add3A_365 = vector.broadcast %add3A_364 : i32 to vector<16xi32>
    %add3A_366 = arith.addi %add3A_365, %iota3A : vector<16xi32>
    %select_n3A_367 = arith.select %and3A_352, %add3A_363, %add3A_366 : vector<16xi1>, vector<16xi32>
    %swap3A_368 = arith.constant 1 : i32
    %swap3A_369 = arith.index_cast %swap3A_368 : i32 to index
    %swap3A_370 = arith.constant 0 : index
    %swap3A_371 = tpu.vector_load %arg10[%swap3A_369, %swap3A_370] {strides = array<i32>} : memref<4x128xi32, #tpu.memory_space<vmem>>, vector<1x16xi32>,
    %swap3A_372 = vector.shape_cast %swap3A_371 : vector<1x16xi32> to vector<16xi32>
    %swap3A_373 = vector.shape_cast %select_n3A_367 : vector<16xi32> to vector<1x16xi32>
    tpu.vector_store %arg10[%swap3A_369, %swap3A_370], %swap3A_373 {strides = array<i32>} : memref<4x128xi32, #tpu.memory_space<vmem>>, vector<1x16xi32>,
    %get3A_374 = arith.constant 144 : index
    %get3A_375 = tpu.vector_load %arg7[%get3A_374] {strides = array<i32>} : memref<512xi32, #tpu.memory_space<vmem>>, vector<16xi32>,
    %get3A_376 = vector.shape_cast %get3A_375 : vector<16xi32> to vector<16xi32>
    %get3A_377 = arith.constant 144 : index
    %get3A_378 = tpu.vector_load %arg8[%get3A_377] {strides = array<i32>} : memref<512xi32, #tpu.memory_space<vmem>>, vector<16xi32>,
    %get3A_379 = vector.shape_cast %get3A_378 : vector<16xi32> to vector<16xi32>
    %shift_right_arithmetic3A_380 = arith.constant 7 : i32
    %shift_right_arithmetic3A_381 = vector.broadcast %shift_right_arithmetic3A_380 : i32 to vector<16xi32>
    %shift_right_arithmetic3A_382 = arith.shrsi %get3A_379, %shift_right_arithmetic3A_381 : vector<16xi32>
    %mul3A_383 = arith.constant 3 : i32
    %mul3A_384 = arith.muli %mul3A_383, %arg0 : i32
    %sub3A_385 = vector.broadcast %mul3A_384 : i32 to vector<16xi32>
    %sub3A_386 = arith.subi %shift_right_arithmetic3A_382, %sub3A_385 : vector<16xi32>
    %ge3A_387 = arith.constant 0 : i32
    %ge3A_388 = vector.broadcast %ge3A_387 : i32 to vector<16xi32>
    %ge3A_389 = arith.cmpi sge, %sub3A_386, %ge3A_388 : vector<16xi32>
    %lt3A_390 = arith.constant 3 : i32
    %lt3A_391 = vector.broadcast %lt3A_390 : i32 to vector<16xi32>
    %lt3A_392 = arith.cmpi slt, %sub3A_386, %lt3A_391 : vector<16xi32>
    %and3A_393 = arith.andi %ge3A_389, %lt3A_392 : vector<16xi1>
    %mul3A_394 = arith.constant 87040 : i32
    %mul3A_395 = vector.broadcast %mul3A_394 : i32 to vector<16xi32>
    %mul3A_396 = arith.muli %sub3A_386, %mul3A_395 : vector<16xi32>
    %mul3A_397 = arith.constant 128 : i32
    %mul3A_398 = vector.broadcast %mul3A_397 : i32 to vector<16xi32>
    %mul3A_399 = arith.muli %get3A_376, %mul3A_398 : vector<16xi32>
    %add3A_400 = arith.addi %mul3A_396, %mul3A_399 : vector<16xi32>
    %and3A_401 = arith.constant 127 : i32
    %and3A_402 = vector.broadcast %and3A_401 : i32 to vector<16xi32>
    %and3A_403 = arith.andi %get3A_379, %and3A_402 : vector<16xi32>
    %add3A_404 = arith.addi %add3A_400, %and3A_403 : vector<16xi32>
    %add3A_405 = arith.constant 261136 : i32
    %add3A_406 = vector.broadcast %add3A_405 : i32 to vector<16xi32>
    %add3A_407 = arith.addi %add3A_406, %iota3A : vector<16xi32>
    %select_n3A_408 = arith.select %and3A_393, %add3A_404, %add3A_407 : vector<16xi1>, vector<16xi32>
    %swap3A_409 = arith.constant 1 : i32
    %swap3A_410 = arith.index_cast %swap3A_409 : i32 to index
    %swap3A_411 = arith.constant 16 : index
    %swap3A_412 = tpu.vector_load %arg10[%swap3A_410, %swap3A_411] {strides = array<i32>} : memref<4x128xi32, #tpu.memory_space<vmem>>, vector<1x16xi32>,
    %swap3A_413 = vector.shape_cast %swap3A_412 : vector<1x16xi32> to vector<16xi32>
    %swap3A_414 = vector.shape_cast %select_n3A_408 : vector<16xi32> to vector<1x16xi32>
    tpu.vector_store %arg10[%swap3A_410, %swap3A_411], %swap3A_414 {strides = array<i32>} : memref<4x128xi32, #tpu.memory_space<vmem>>, vector<1x16xi32>,
    %get3A_415 = arith.constant 160 : index
    %get3A_416 = tpu.vector_load %arg7[%get3A_415] {strides = array<i32>} : memref<512xi32, #tpu.memory_space<vmem>>, vector<16xi32>,
    %get3A_417 = vector.shape_cast %get3A_416 : vector<16xi32> to vector<16xi32>
    %get3A_418 = arith.constant 160 : index
    %get3A_419 = tpu.vector_load %arg8[%get3A_418] {strides = array<i32>} : memref<512xi32, #tpu.memory_space<vmem>>, vector<16xi32>,
    %get3A_420 = vector.shape_cast %get3A_419 : vector<16xi32> to vector<16xi32>
    %shift_right_arithmetic3A_421 = arith.constant 7 : i32
    %shift_right_arithmetic3A_422 = vector.broadcast %shift_right_arithmetic3A_421 : i32 to vector<16xi32>
    %shift_right_arithmetic3A_423 = arith.shrsi %get3A_420, %shift_right_arithmetic3A_422 : vector<16xi32>
    %mul3A_424 = arith.constant 3 : i32
    %mul3A_425 = arith.muli %mul3A_424, %arg0 : i32
    %sub3A_426 = vector.broadcast %mul3A_425 : i32 to vector<16xi32>
    %sub3A_427 = arith.subi %shift_right_arithmetic3A_423, %sub3A_426 : vector<16xi32>
    %ge3A_428 = arith.constant 0 : i32
    %ge3A_429 = vector.broadcast %ge3A_428 : i32 to vector<16xi32>
    %ge3A_430 = arith.cmpi sge, %sub3A_427, %ge3A_429 : vector<16xi32>
    %lt3A_431 = arith.constant 3 : i32
    %lt3A_432 = vector.broadcast %lt3A_431 : i32 to vector<16xi32>
    %lt3A_433 = arith.cmpi slt, %sub3A_427, %lt3A_432 : vector<16xi32>
    %and3A_434 = arith.andi %ge3A_430, %lt3A_433 : vector<16xi1>
    %mul3A_435 = arith.constant 87040 : i32
    %mul3A_436 = vector.broadcast %mul3A_435 : i32 to vector<16xi32>
    %mul3A_437 = arith.muli %sub3A_427, %mul3A_436 : vector<16xi32>
    %mul3A_438 = arith.constant 128 : i32
    %mul3A_439 = vector.broadcast %mul3A_438 : i32 to vector<16xi32>
    %mul3A_440 = arith.muli %get3A_417, %mul3A_439 : vector<16xi32>
    %add3A_441 = arith.addi %mul3A_437, %mul3A_440 : vector<16xi32>
    %and3A_442 = arith.constant 127 : i32
    %and3A_443 = vector.broadcast %and3A_442 : i32 to vector<16xi32>
    %and3A_444 = arith.andi %get3A_420, %and3A_443 : vector<16xi32>
    %add3A_445 = arith.addi %add3A_441, %and3A_444 : vector<16xi32>
    %add3A_446 = arith.constant 261152 : i32
    %add3A_447 = vector.broadcast %add3A_446 : i32 to vector<16xi32>
    %add3A_448 = arith.addi %add3A_447, %iota3A : vector<16xi32>
    %select_n3A_449 = arith.select %and3A_434, %add3A_445, %add3A_448 : vector<16xi1>, vector<16xi32>
    %swap3A_450 = arith.constant 1 : i32
    %swap3A_451 = arith.index_cast %swap3A_450 : i32 to index
    %swap3A_452 = arith.constant 32 : index
    %swap3A_453 = tpu.vector_load %arg10[%swap3A_451, %swap3A_452] {strides = array<i32>} : memref<4x128xi32, #tpu.memory_space<vmem>>, vector<1x16xi32>,
    %swap3A_454 = vector.shape_cast %swap3A_453 : vector<1x16xi32> to vector<16xi32>
    %swap3A_455 = vector.shape_cast %select_n3A_449 : vector<16xi32> to vector<1x16xi32>
    tpu.vector_store %arg10[%swap3A_451, %swap3A_452], %swap3A_455 {strides = array<i32>} : memref<4x128xi32, #tpu.memory_space<vmem>>, vector<1x16xi32>,
    %get3A_456 = arith.constant 176 : index
    %get3A_457 = tpu.vector_load %arg7[%get3A_456] {strides = array<i32>} : memref<512xi32, #tpu.memory_space<vmem>>, vector<16xi32>,
    %get3A_458 = vector.shape_cast %get3A_457 : vector<16xi32> to vector<16xi32>
    %get3A_459 = arith.constant 176 : index
    %get3A_460 = tpu.vector_load %arg8[%get3A_459] {strides = array<i32>} : memref<512xi32, #tpu.memory_space<vmem>>, vector<16xi32>,
    %get3A_461 = vector.shape_cast %get3A_460 : vector<16xi32> to vector<16xi32>
    %shift_right_arithmetic3A_462 = arith.constant 7 : i32
    %shift_right_arithmetic3A_463 = vector.broadcast %shift_right_arithmetic3A_462 : i32 to vector<16xi32>
    %shift_right_arithmetic3A_464 = arith.shrsi %get3A_461, %shift_right_arithmetic3A_463 : vector<16xi32>
    %mul3A_465 = arith.constant 3 : i32
    %mul3A_466 = arith.muli %mul3A_465, %arg0 : i32
    %sub3A_467 = vector.broadcast %mul3A_466 : i32 to vector<16xi32>
    %sub3A_468 = arith.subi %shift_right_arithmetic3A_464, %sub3A_467 : vector<16xi32>
    %ge3A_469 = arith.constant 0 : i32
    %ge3A_470 = vector.broadcast %ge3A_469 : i32 to vector<16xi32>
    %ge3A_471 = arith.cmpi sge, %sub3A_468, %ge3A_470 : vector<16xi32>
    %lt3A_472 = arith.constant 3 : i32
    %lt3A_473 = vector.broadcast %lt3A_472 : i32 to vector<16xi32>
    %lt3A_474 = arith.cmpi slt, %sub3A_468, %lt3A_473 : vector<16xi32>
    %and3A_475 = arith.andi %ge3A_471, %lt3A_474 : vector<16xi1>
    %mul3A_476 = arith.constant 87040 : i32
    %mul3A_477 = vector.broadcast %mul3A_476 : i32 to vector<16xi32>
    %mul3A_478 = arith.muli %sub3A_468, %mul3A_477 : vector<16xi32>
    %mul3A_479 = arith.constant 128 : i32
    %mul3A_480 = vector.broadcast %mul3A_479 : i32 to vector<16xi32>
    %mul3A_481 = arith.muli %get3A_458, %mul3A_480 : vector<16xi32>
    %add3A_482 = arith.addi %mul3A_478, %mul3A_481 : vector<16xi32>
    %and3A_483 = arith.constant 127 : i32
    %and3A_484 = vector.broadcast %and3A_483 : i32 to vector<16xi32>
    %and3A_485 = arith.andi %get3A_461, %and3A_484 : vector<16xi32>
    %add3A_486 = arith.addi %add3A_482, %and3A_485 : vector<16xi32>
    %add3A_487 = arith.constant 261168 : i32
    %add3A_488 = vector.broadcast %add3A_487 : i32 to vector<16xi32>
    %add3A_489 = arith.addi %add3A_488, %iota3A : vector<16xi32>
    %select_n3A_490 = arith.select %and3A_475, %add3A_486, %add3A_489 : vector<16xi1>, vector<16xi32>
    %swap3A_491 = arith.constant 1 : i32
    %swap3A_492 = arith.index_cast %swap3A_491 : i32 to index
    %swap3A_493 = arith.constant 48 : index
    %swap3A_494 = tpu.vector_load %arg10[%swap3A_492, %swap3A_493] {strides = array<i32>} : memref<4x128xi32, #tpu.memory_space<vmem>>, vector<1x16xi32>,
    %swap3A_495 = vector.shape_cast %swap3A_494 : vector<1x16xi32> to vector<16xi32>
    %swap3A_496 = vector.shape_cast %select_n3A_490 : vector<16xi32> to vector<1x16xi32>
    tpu.vector_store %arg10[%swap3A_492, %swap3A_493], %swap3A_496 {strides = array<i32>} : memref<4x128xi32, #tpu.memory_space<vmem>>, vector<1x16xi32>,
    %get3A_497 = arith.constant 192 : index
    %get3A_498 = tpu.vector_load %arg7[%get3A_497] {strides = array<i32>} : memref<512xi32, #tpu.memory_space<vmem>>, vector<16xi32>,
    %get3A_499 = vector.shape_cast %get3A_498 : vector<16xi32> to vector<16xi32>
    %get3A_500 = arith.constant 192 : index
    %get3A_501 = tpu.vector_load %arg8[%get3A_500] {strides = array<i32>} : memref<512xi32, #tpu.memory_space<vmem>>, vector<16xi32>,
    %get3A_502 = vector.shape_cast %get3A_501 : vector<16xi32> to vector<16xi32>
    %shift_right_arithmetic3A_503 = arith.constant 7 : i32
    %shift_right_arithmetic3A_504 = vector.broadcast %shift_right_arithmetic3A_503 : i32 to vector<16xi32>
    %shift_right_arithmetic3A_505 = arith.shrsi %get3A_502, %shift_right_arithmetic3A_504 : vector<16xi32>
    %mul3A_506 = arith.constant 3 : i32
    %mul3A_507 = arith.muli %mul3A_506, %arg0 : i32
    %sub3A_508 = vector.broadcast %mul3A_507 : i32 to vector<16xi32>
    %sub3A_509 = arith.subi %shift_right_arithmetic3A_505, %sub3A_508 : vector<16xi32>
    %ge3A_510 = arith.constant 0 : i32
    %ge3A_511 = vector.broadcast %ge3A_510 : i32 to vector<16xi32>
    %ge3A_512 = arith.cmpi sge, %sub3A_509, %ge3A_511 : vector<16xi32>
    %lt3A_513 = arith.constant 3 : i32
    %lt3A_514 = vector.broadcast %lt3A_513 : i32 to vector<16xi32>
    %lt3A_515 = arith.cmpi slt, %sub3A_509, %lt3A_514 : vector<16xi32>
    %and3A_516 = arith.andi %ge3A_512, %lt3A_515 : vector<16xi1>
    %mul3A_517 = arith.constant 87040 : i32
    %mul3A_518 = vector.broadcast %mul3A_517 : i32 to vector<16xi32>
    %mul3A_519 = arith.muli %sub3A_509, %mul3A_518 : vector<16xi32>
    %mul3A_520 = arith.constant 128 : i32
    %mul3A_521 = vector.broadcast %mul3A_520 : i32 to vector<16xi32>
    %mul3A_522 = arith.muli %get3A_499, %mul3A_521 : vector<16xi32>
    %add3A_523 = arith.addi %mul3A_519, %mul3A_522 : vector<16xi32>
    %and3A_524 = arith.constant 127 : i32
    %and3A_525 = vector.broadcast %and3A_524 : i32 to vector<16xi32>
    %and3A_526 = arith.andi %get3A_502, %and3A_525 : vector<16xi32>
    %add3A_527 = arith.addi %add3A_523, %and3A_526 : vector<16xi32>
    %add3A_528 = arith.constant 261184 : i32
    %add3A_529 = vector.broadcast %add3A_528 : i32 to vector<16xi32>
    %add3A_530 = arith.addi %add3A_529, %iota3A : vector<16xi32>
    %select_n3A_531 = arith.select %and3A_516, %add3A_527, %add3A_530 : vector<16xi1>, vector<16xi32>
    %swap3A_532 = arith.constant 1 : i32
    %swap3A_533 = arith.index_cast %swap3A_532 : i32 to index
    %swap3A_534 = arith.constant 64 : index
    %swap3A_535 = tpu.vector_load %arg10[%swap3A_533, %swap3A_534] {strides = array<i32>} : memref<4x128xi32, #tpu.memory_space<vmem>>, vector<1x16xi32>,
    %swap3A_536 = vector.shape_cast %swap3A_535 : vector<1x16xi32> to vector<16xi32>
    %swap3A_537 = vector.shape_cast %select_n3A_531 : vector<16xi32> to vector<1x16xi32>
    tpu.vector_store %arg10[%swap3A_533, %swap3A_534], %swap3A_537 {strides = array<i32>} : memref<4x128xi32, #tpu.memory_space<vmem>>, vector<1x16xi32>,
    %get3A_538 = arith.constant 208 : index
    %get3A_539 = tpu.vector_load %arg7[%get3A_538] {strides = array<i32>} : memref<512xi32, #tpu.memory_space<vmem>>, vector<16xi32>,
    %get3A_540 = vector.shape_cast %get3A_539 : vector<16xi32> to vector<16xi32>
    %get3A_541 = arith.constant 208 : index
    %get3A_542 = tpu.vector_load %arg8[%get3A_541] {strides = array<i32>} : memref<512xi32, #tpu.memory_space<vmem>>, vector<16xi32>,
    %get3A_543 = vector.shape_cast %get3A_542 : vector<16xi32> to vector<16xi32>
    %shift_right_arithmetic3A_544 = arith.constant 7 : i32
    %shift_right_arithmetic3A_545 = vector.broadcast %shift_right_arithmetic3A_544 : i32 to vector<16xi32>
    %shift_right_arithmetic3A_546 = arith.shrsi %get3A_543, %shift_right_arithmetic3A_545 : vector<16xi32>
    %mul3A_547 = arith.constant 3 : i32
    %mul3A_548 = arith.muli %mul3A_547, %arg0 : i32
    %sub3A_549 = vector.broadcast %mul3A_548 : i32 to vector<16xi32>
    %sub3A_550 = arith.subi %shift_right_arithmetic3A_546, %sub3A_549 : vector<16xi32>
    %ge3A_551 = arith.constant 0 : i32
    %ge3A_552 = vector.broadcast %ge3A_551 : i32 to vector<16xi32>
    %ge3A_553 = arith.cmpi sge, %sub3A_550, %ge3A_552 : vector<16xi32>
    %lt3A_554 = arith.constant 3 : i32
    %lt3A_555 = vector.broadcast %lt3A_554 : i32 to vector<16xi32>
    %lt3A_556 = arith.cmpi slt, %sub3A_550, %lt3A_555 : vector<16xi32>
    %and3A_557 = arith.andi %ge3A_553, %lt3A_556 : vector<16xi1>
    %mul3A_558 = arith.constant 87040 : i32
    %mul3A_559 = vector.broadcast %mul3A_558 : i32 to vector<16xi32>
    %mul3A_560 = arith.muli %sub3A_550, %mul3A_559 : vector<16xi32>
    %mul3A_561 = arith.constant 128 : i32
    %mul3A_562 = vector.broadcast %mul3A_561 : i32 to vector<16xi32>
    %mul3A_563 = arith.muli %get3A_540, %mul3A_562 : vector<16xi32>
    %add3A_564 = arith.addi %mul3A_560, %mul3A_563 : vector<16xi32>
    %and3A_565 = arith.constant 127 : i32
    %and3A_566 = vector.broadcast %and3A_565 : i32 to vector<16xi32>
    %and3A_567 = arith.andi %get3A_543, %and3A_566 : vector<16xi32>
    %add3A_568 = arith.addi %add3A_564, %and3A_567 : vector<16xi32>
    %add3A_569 = arith.constant 261200 : i32
    %add3A_570 = vector.broadcast %add3A_569 : i32 to vector<16xi32>
    %add3A_571 = arith.addi %add3A_570, %iota3A : vector<16xi32>
    %select_n3A_572 = arith.select %and3A_557, %add3A_568, %add3A_571 : vector<16xi1>, vector<16xi32>
    %swap3A_573 = arith.constant 1 : i32
    %swap3A_574 = arith.index_cast %swap3A_573 : i32 to index
    %swap3A_575 = arith.constant 80 : index
    %swap3A_576 = tpu.vector_load %arg10[%swap3A_574, %swap3A_575] {strides = array<i32>} : memref<4x128xi32, #tpu.memory_space<vmem>>, vector<1x16xi32>,
    %swap3A_577 = vector.shape_cast %swap3A_576 : vector<1x16xi32> to vector<16xi32>
    %swap3A_578 = vector.shape_cast %select_n3A_572 : vector<16xi32> to vector<1x16xi32>
    tpu.vector_store %arg10[%swap3A_574, %swap3A_575], %swap3A_578 {strides = array<i32>} : memref<4x128xi32, #tpu.memory_space<vmem>>, vector<1x16xi32>,
    %get3A_579 = arith.constant 224 : index
    %get3A_580 = tpu.vector_load %arg7[%get3A_579] {strides = array<i32>} : memref<512xi32, #tpu.memory_space<vmem>>, vector<16xi32>,
    %get3A_581 = vector.shape_cast %get3A_580 : vector<16xi32> to vector<16xi32>
    %get3A_582 = arith.constant 224 : index
    %get3A_583 = tpu.vector_load %arg8[%get3A_582] {strides = array<i32>} : memref<512xi32, #tpu.memory_space<vmem>>, vector<16xi32>,
    %get3A_584 = vector.shape_cast %get3A_583 : vector<16xi32> to vector<16xi32>
    %shift_right_arithmetic3A_585 = arith.constant 7 : i32
    %shift_right_arithmetic3A_586 = vector.broadcast %shift_right_arithmetic3A_585 : i32 to vector<16xi32>
    %shift_right_arithmetic3A_587 = arith.shrsi %get3A_584, %shift_right_arithmetic3A_586 : vector<16xi32>
    %mul3A_588 = arith.constant 3 : i32
    %mul3A_589 = arith.muli %mul3A_588, %arg0 : i32
    %sub3A_590 = vector.broadcast %mul3A_589 : i32 to vector<16xi32>
    %sub3A_591 = arith.subi %shift_right_arithmetic3A_587, %sub3A_590 : vector<16xi32>
    %ge3A_592 = arith.constant 0 : i32
    %ge3A_593 = vector.broadcast %ge3A_592 : i32 to vector<16xi32>
    %ge3A_594 = arith.cmpi sge, %sub3A_591, %ge3A_593 : vector<16xi32>
    %lt3A_595 = arith.constant 3 : i32
    %lt3A_596 = vector.broadcast %lt3A_595 : i32 to vector<16xi32>
    %lt3A_597 = arith.cmpi slt, %sub3A_591, %lt3A_596 : vector<16xi32>
    %and3A_598 = arith.andi %ge3A_594, %lt3A_597 : vector<16xi1>
    %mul3A_599 = arith.constant 87040 : i32
    %mul3A_600 = vector.broadcast %mul3A_599 : i32 to vector<16xi32>
    %mul3A_601 = arith.muli %sub3A_591, %mul3A_600 : vector<16xi32>
    %mul3A_602 = arith.constant 128 : i32
    %mul3A_603 = vector.broadcast %mul3A_602 : i32 to vector<16xi32>
    %mul3A_604 = arith.muli %get3A_581, %mul3A_603 : vector<16xi32>
    %add3A_605 = arith.addi %mul3A_601, %mul3A_604 : vector<16xi32>
    %and3A_606 = arith.constant 127 : i32
    %and3A_607 = vector.broadcast %and3A_606 : i32 to vector<16xi32>
    %and3A_608 = arith.andi %get3A_584, %and3A_607 : vector<16xi32>
    %add3A_609 = arith.addi %add3A_605, %and3A_608 : vector<16xi32>
    %add3A_610 = arith.constant 261216 : i32
    %add3A_611 = vector.broadcast %add3A_610 : i32 to vector<16xi32>
    %add3A_612 = arith.addi %add3A_611, %iota3A : vector<16xi32>
    %select_n3A_613 = arith.select %and3A_598, %add3A_609, %add3A_612 : vector<16xi1>, vector<16xi32>
    %swap3A_614 = arith.constant 1 : i32
    %swap3A_615 = arith.index_cast %swap3A_614 : i32 to index
    %swap3A_616 = arith.constant 96 : index
    %swap3A_617 = tpu.vector_load %arg10[%swap3A_615, %swap3A_616] {strides = array<i32>} : memref<4x128xi32, #tpu.memory_space<vmem>>, vector<1x16xi32>,
    %swap3A_618 = vector.shape_cast %swap3A_617 : vector<1x16xi32> to vector<16xi32>
    %swap3A_619 = vector.shape_cast %select_n3A_613 : vector<16xi32> to vector<1x16xi32>
    tpu.vector_store %arg10[%swap3A_615, %swap3A_616], %swap3A_619 {strides = array<i32>} : memref<4x128xi32, #tpu.memory_space<vmem>>, vector<1x16xi32>,
    %get3A_620 = arith.constant 240 : index
    %get3A_621 = tpu.vector_load %arg7[%get3A_620] {strides = array<i32>} : memref<512xi32, #tpu.memory_space<vmem>>, vector<16xi32>,
    %get3A_622 = vector.shape_cast %get3A_621 : vector<16xi32> to vector<16xi32>
    %get3A_623 = arith.constant 240 : index
    %get3A_624 = tpu.vector_load %arg8[%get3A_623] {strides = array<i32>} : memref<512xi32, #tpu.memory_space<vmem>>, vector<16xi32>,
    %get3A_625 = vector.shape_cast %get3A_624 : vector<16xi32> to vector<16xi32>
    %shift_right_arithmetic3A_626 = arith.constant 7 : i32
    %shift_right_arithmetic3A_627 = vector.broadcast %shift_right_arithmetic3A_626 : i32 to vector<16xi32>
    %shift_right_arithmetic3A_628 = arith.shrsi %get3A_625, %shift_right_arithmetic3A_627 : vector<16xi32>
    %mul3A_629 = arith.constant 3 : i32
    %mul3A_630 = arith.muli %mul3A_629, %arg0 : i32
    %sub3A_631 = vector.broadcast %mul3A_630 : i32 to vector<16xi32>
    %sub3A_632 = arith.subi %shift_right_arithmetic3A_628, %sub3A_631 : vector<16xi32>
    %ge3A_633 = arith.constant 0 : i32
    %ge3A_634 = vector.broadcast %ge3A_633 : i32 to vector<16xi32>
    %ge3A_635 = arith.cmpi sge, %sub3A_632, %ge3A_634 : vector<16xi32>
    %lt3A_636 = arith.constant 3 : i32
    %lt3A_637 = vector.broadcast %lt3A_636 : i32 to vector<16xi32>
    %lt3A_638 = arith.cmpi slt, %sub3A_632, %lt3A_637 : vector<16xi32>
    %and3A_639 = arith.andi %ge3A_635, %lt3A_638 : vector<16xi1>
    %mul3A_640 = arith.constant 87040 : i32
    %mul3A_641 = vector.broadcast %mul3A_640 : i32 to vector<16xi32>
    %mul3A_642 = arith.muli %sub3A_632, %mul3A_641 : vector<16xi32>
    %mul3A_643 = arith.constant 128 : i32
    %mul3A_644 = vector.broadcast %mul3A_643 : i32 to vector<16xi32>
    %mul3A_645 = arith.muli %get3A_622, %mul3A_644 : vector<16xi32>
    %add3A_646 = arith.addi %mul3A_642, %mul3A_645 : vector<16xi32>
    %and3A_647 = arith.constant 127 : i32
    %and3A_648 = vector.broadcast %and3A_647 : i32 to vector<16xi32>
    %and3A_649 = arith.andi %get3A_625, %and3A_648 : vector<16xi32>
    %add3A_650 = arith.addi %add3A_646, %and3A_649 : vector<16xi32>
    %add3A_651 = arith.constant 261232 : i32
    %add3A_652 = vector.broadcast %add3A_651 : i32 to vector<16xi32>
    %add3A_653 = arith.addi %add3A_652, %iota3A : vector<16xi32>
    %select_n3A_654 = arith.select %and3A_639, %add3A_650, %add3A_653 : vector<16xi1>, vector<16xi32>
    %swap3A_655 = arith.constant 1 : i32
    %swap3A_656 = arith.index_cast %swap3A_655 : i32 to index
    %swap3A_657 = arith.constant 112 : index
    %swap3A_658 = tpu.vector_load %arg10[%swap3A_656, %swap3A_657] {strides = array<i32>} : memref<4x128xi32, #tpu.memory_space<vmem>>, vector<1x16xi32>,
    %swap3A_659 = vector.shape_cast %swap3A_658 : vector<1x16xi32> to vector<16xi32>
    %swap3A_660 = vector.shape_cast %select_n3A_654 : vector<16xi32> to vector<1x16xi32>
    tpu.vector_store %arg10[%swap3A_656, %swap3A_657], %swap3A_660 {strides = array<i32>} : memref<4x128xi32, #tpu.memory_space<vmem>>, vector<1x16xi32>,
    %get3A_661 = arith.constant 256 : index
    %get3A_662 = tpu.vector_load %arg7[%get3A_661] {strides = array<i32>} : memref<512xi32, #tpu.memory_space<vmem>>, vector<16xi32>,
    %get3A_663 = vector.shape_cast %get3A_662 : vector<16xi32> to vector<16xi32>
    %get3A_664 = arith.constant 256 : index
    %get3A_665 = tpu.vector_load %arg8[%get3A_664] {strides = array<i32>} : memref<512xi32, #tpu.memory_space<vmem>>, vector<16xi32>,
    %get3A_666 = vector.shape_cast %get3A_665 : vector<16xi32> to vector<16xi32>
    %shift_right_arithmetic3A_667 = arith.constant 7 : i32
    %shift_right_arithmetic3A_668 = vector.broadcast %shift_right_arithmetic3A_667 : i32 to vector<16xi32>
    %shift_right_arithmetic3A_669 = arith.shrsi %get3A_666, %shift_right_arithmetic3A_668 : vector<16xi32>
    %mul3A_670 = arith.constant 3 : i32
    %mul3A_671 = arith.muli %mul3A_670, %arg0 : i32
    %sub3A_672 = vector.broadcast %mul3A_671 : i32 to vector<16xi32>
    %sub3A_673 = arith.subi %shift_right_arithmetic3A_669, %sub3A_672 : vector<16xi32>
    %ge3A_674 = arith.constant 0 : i32
    %ge3A_675 = vector.broadcast %ge3A_674 : i32 to vector<16xi32>
    %ge3A_676 = arith.cmpi sge, %sub3A_673, %ge3A_675 : vector<16xi32>
    %lt3A_677 = arith.constant 3 : i32
    %lt3A_678 = vector.broadcast %lt3A_677 : i32 to vector<16xi32>
    %lt3A_679 = arith.cmpi slt, %sub3A_673, %lt3A_678 : vector<16xi32>
    %and3A_680 = arith.andi %ge3A_676, %lt3A_679 : vector<16xi1>
    %mul3A_681 = arith.constant 87040 : i32
    %mul3A_682 = vector.broadcast %mul3A_681 : i32 to vector<16xi32>
    %mul3A_683 = arith.muli %sub3A_673, %mul3A_682 : vector<16xi32>
    %mul3A_684 = arith.constant 128 : i32
    %mul3A_685 = vector.broadcast %mul3A_684 : i32 to vector<16xi32>
    %mul3A_686 = arith.muli %get3A_663, %mul3A_685 : vector<16xi32>
    %add3A_687 = arith.addi %mul3A_683, %mul3A_686 : vector<16xi32>
    %and3A_688 = arith.constant 127 : i32
    %and3A_689 = vector.broadcast %and3A_688 : i32 to vector<16xi32>
    %and3A_690 = arith.andi %get3A_666, %and3A_689 : vector<16xi32>
    %add3A_691 = arith.addi %add3A_687, %and3A_690 : vector<16xi32>
    %add3A_692 = arith.constant 261120 : i32
    %add3A_693 = vector.broadcast %add3A_692 : i32 to vector<16xi32>
    %add3A_694 = arith.addi %add3A_693, %iota3A : vector<16xi32>
    %select_n3A_695 = arith.select %and3A_680, %add3A_691, %add3A_694 : vector<16xi1>, vector<16xi32>
    %swap3A_696 = arith.constant 2 : i32
    %swap3A_697 = arith.index_cast %swap3A_696 : i32 to index
    %swap3A_698 = arith.constant 0 : index
    %swap3A_699 = tpu.vector_load %arg10[%swap3A_697, %swap3A_698] {strides = array<i32>} : memref<4x128xi32, #tpu.memory_space<vmem>>, vector<1x16xi32>,
    %swap3A_700 = vector.shape_cast %swap3A_699 : vector<1x16xi32> to vector<16xi32>
    %swap3A_701 = vector.shape_cast %select_n3A_695 : vector<16xi32> to vector<1x16xi32>
    tpu.vector_store %arg10[%swap3A_697, %swap3A_698], %swap3A_701 {strides = array<i32>} : memref<4x128xi32, #tpu.memory_space<vmem>>, vector<1x16xi32>,
    %get3A_702 = arith.constant 272 : index
    %get3A_703 = tpu.vector_load %arg7[%get3A_702] {strides = array<i32>} : memref<512xi32, #tpu.memory_space<vmem>>, vector<16xi32>,
    %get3A_704 = vector.shape_cast %get3A_703 : vector<16xi32> to vector<16xi32>
    %get3A_705 = arith.constant 272 : index
    %get3A_706 = tpu.vector_load %arg8[%get3A_705] {strides = array<i32>} : memref<512xi32, #tpu.memory_space<vmem>>, vector<16xi32>,
    %get3A_707 = vector.shape_cast %get3A_706 : vector<16xi32> to vector<16xi32>
    %shift_right_arithmetic3A_708 = arith.constant 7 : i32
    %shift_right_arithmetic3A_709 = vector.broadcast %shift_right_arithmetic3A_708 : i32 to vector<16xi32>
    %shift_right_arithmetic3A_710 = arith.shrsi %get3A_707, %shift_right_arithmetic3A_709 : vector<16xi32>
    %mul3A_711 = arith.constant 3 : i32
    %mul3A_712 = arith.muli %mul3A_711, %arg0 : i32
    %sub3A_713 = vector.broadcast %mul3A_712 : i32 to vector<16xi32>
    %sub3A_714 = arith.subi %shift_right_arithmetic3A_710, %sub3A_713 : vector<16xi32>
    %ge3A_715 = arith.constant 0 : i32
    %ge3A_716 = vector.broadcast %ge3A_715 : i32 to vector<16xi32>
    %ge3A_717 = arith.cmpi sge, %sub3A_714, %ge3A_716 : vector<16xi32>
    %lt3A_718 = arith.constant 3 : i32
    %lt3A_719 = vector.broadcast %lt3A_718 : i32 to vector<16xi32>
    %lt3A_720 = arith.cmpi slt, %sub3A_714, %lt3A_719 : vector<16xi32>
    %and3A_721 = arith.andi %ge3A_717, %lt3A_720 : vector<16xi1>
    %mul3A_722 = arith.constant 87040 : i32
    %mul3A_723 = vector.broadcast %mul3A_722 : i32 to vector<16xi32>
    %mul3A_724 = arith.muli %sub3A_714, %mul3A_723 : vector<16xi32>
    %mul3A_725 = arith.constant 128 : i32
    %mul3A_726 = vector.broadcast %mul3A_725 : i32 to vector<16xi32>
    %mul3A_727 = arith.muli %get3A_704, %mul3A_726 : vector<16xi32>
    %add3A_728 = arith.addi %mul3A_724, %mul3A_727 : vector<16xi32>
    %and3A_729 = arith.constant 127 : i32
    %and3A_730 = vector.broadcast %and3A_729 : i32 to vector<16xi32>
    %and3A_731 = arith.andi %get3A_707, %and3A_730 : vector<16xi32>
    %add3A_732 = arith.addi %add3A_728, %and3A_731 : vector<16xi32>
    %add3A_733 = arith.constant 261136 : i32
    %add3A_734 = vector.broadcast %add3A_733 : i32 to vector<16xi32>
    %add3A_735 = arith.addi %add3A_734, %iota3A : vector<16xi32>
    %select_n3A_736 = arith.select %and3A_721, %add3A_732, %add3A_735 : vector<16xi1>, vector<16xi32>
    %swap3A_737 = arith.constant 2 : i32
    %swap3A_738 = arith.index_cast %swap3A_737 : i32 to index
    %swap3A_739 = arith.constant 16 : index
    %swap3A_740 = tpu.vector_load %arg10[%swap3A_738, %swap3A_739] {strides = array<i32>} : memref<4x128xi32, #tpu.memory_space<vmem>>, vector<1x16xi32>,
    %swap3A_741 = vector.shape_cast %swap3A_740 : vector<1x16xi32> to vector<16xi32>
    %swap3A_742 = vector.shape_cast %select_n3A_736 : vector<16xi32> to vector<1x16xi32>
    tpu.vector_store %arg10[%swap3A_738, %swap3A_739], %swap3A_742 {strides = array<i32>} : memref<4x128xi32, #tpu.memory_space<vmem>>, vector<1x16xi32>,
    %get3A_743 = arith.constant 288 : index
    %get3A_744 = tpu.vector_load %arg7[%get3A_743] {strides = array<i32>} : memref<512xi32, #tpu.memory_space<vmem>>, vector<16xi32>,
    %get3A_745 = vector.shape_cast %get3A_744 : vector<16xi32> to vector<16xi32>
    %get3A_746 = arith.constant 288 : index
    %get3A_747 = tpu.vector_load %arg8[%get3A_746] {strides = array<i32>} : memref<512xi32, #tpu.memory_space<vmem>>, vector<16xi32>,
    %get3A_748 = vector.shape_cast %get3A_747 : vector<16xi32> to vector<16xi32>
    %shift_right_arithmetic3A_749 = arith.constant 7 : i32
    %shift_right_arithmetic3A_750 = vector.broadcast %shift_right_arithmetic3A_749 : i32 to vector<16xi32>
    %shift_right_arithmetic3A_751 = arith.shrsi %get3A_748, %shift_right_arithmetic3A_750 : vector<16xi32>
    %mul3A_752 = arith.constant 3 : i32
    %mul3A_753 = arith.muli %mul3A_752, %arg0 : i32
    %sub3A_754 = vector.broadcast %mul3A_753 : i32 to vector<16xi32>
    %sub3A_755 = arith.subi %shift_right_arithmetic3A_751, %sub3A_754 : vector<16xi32>
    %ge3A_756 = arith.constant 0 : i32
    %ge3A_757 = vector.broadcast %ge3A_756 : i32 to vector<16xi32>
    %ge3A_758 = arith.cmpi sge, %sub3A_755, %ge3A_757 : vector<16xi32>
    %lt3A_759 = arith.constant 3 : i32
    %lt3A_760 = vector.broadcast %lt3A_759 : i32 to vector<16xi32>
    %lt3A_761 = arith.cmpi slt, %sub3A_755, %lt3A_760 : vector<16xi32>
    %and3A_762 = arith.andi %ge3A_758, %lt3A_761 : vector<16xi1>
    %mul3A_763 = arith.constant 87040 : i32
    %mul3A_764 = vector.broadcast %mul3A_763 : i32 to vector<16xi32>
    %mul3A_765 = arith.muli %sub3A_755, %mul3A_764 : vector<16xi32>
    %mul3A_766 = arith.constant 128 : i32
    %mul3A_767 = vector.broadcast %mul3A_766 : i32 to vector<16xi32>
    %mul3A_768 = arith.muli %get3A_745, %mul3A_767 : vector<16xi32>
    %add3A_769 = arith.addi %mul3A_765, %mul3A_768 : vector<16xi32>
    %and3A_770 = arith.constant 127 : i32
    %and3A_771 = vector.broadcast %and3A_770 : i32 to vector<16xi32>
    %and3A_772 = arith.andi %get3A_748, %and3A_771 : vector<16xi32>
    %add3A_773 = arith.addi %add3A_769, %and3A_772 : vector<16xi32>
    %add3A_774 = arith.constant 261152 : i32
    %add3A_775 = vector.broadcast %add3A_774 : i32 to vector<16xi32>
    %add3A_776 = arith.addi %add3A_775, %iota3A : vector<16xi32>
    %select_n3A_777 = arith.select %and3A_762, %add3A_773, %add3A_776 : vector<16xi1>, vector<16xi32>
    %swap3A_778 = arith.constant 2 : i32
    %swap3A_779 = arith.index_cast %swap3A_778 : i32 to index
    %swap3A_780 = arith.constant 32 : index
    %swap3A_781 = tpu.vector_load %arg10[%swap3A_779, %swap3A_780] {strides = array<i32>} : memref<4x128xi32, #tpu.memory_space<vmem>>, vector<1x16xi32>,
    %swap3A_782 = vector.shape_cast %swap3A_781 : vector<1x16xi32> to vector<16xi32>
    %swap3A_783 = vector.shape_cast %select_n3A_777 : vector<16xi32> to vector<1x16xi32>
    tpu.vector_store %arg10[%swap3A_779, %swap3A_780], %swap3A_783 {strides = array<i32>} : memref<4x128xi32, #tpu.memory_space<vmem>>, vector<1x16xi32>,
    %get3A_784 = arith.constant 304 : index
    %get3A_785 = tpu.vector_load %arg7[%get3A_784] {strides = array<i32>} : memref<512xi32, #tpu.memory_space<vmem>>, vector<16xi32>,
    %get3A_786 = vector.shape_cast %get3A_785 : vector<16xi32> to vector<16xi32>
    %get3A_787 = arith.constant 304 : index
    %get3A_788 = tpu.vector_load %arg8[%get3A_787] {strides = array<i32>} : memref<512xi32, #tpu.memory_space<vmem>>, vector<16xi32>,
    %get3A_789 = vector.shape_cast %get3A_788 : vector<16xi32> to vector<16xi32>
    %shift_right_arithmetic3A_790 = arith.constant 7 : i32
    %shift_right_arithmetic3A_791 = vector.broadcast %shift_right_arithmetic3A_790 : i32 to vector<16xi32>
    %shift_right_arithmetic3A_792 = arith.shrsi %get3A_789, %shift_right_arithmetic3A_791 : vector<16xi32>
    %mul3A_793 = arith.constant 3 : i32
    %mul3A_794 = arith.muli %mul3A_793, %arg0 : i32
    %sub3A_795 = vector.broadcast %mul3A_794 : i32 to vector<16xi32>
    %sub3A_796 = arith.subi %shift_right_arithmetic3A_792, %sub3A_795 : vector<16xi32>
    %ge3A_797 = arith.constant 0 : i32
    %ge3A_798 = vector.broadcast %ge3A_797 : i32 to vector<16xi32>
    %ge3A_799 = arith.cmpi sge, %sub3A_796, %ge3A_798 : vector<16xi32>
    %lt3A_800 = arith.constant 3 : i32
    %lt3A_801 = vector.broadcast %lt3A_800 : i32 to vector<16xi32>
    %lt3A_802 = arith.cmpi slt, %sub3A_796, %lt3A_801 : vector<16xi32>
    %and3A_803 = arith.andi %ge3A_799, %lt3A_802 : vector<16xi1>
    %mul3A_804 = arith.constant 87040 : i32
    %mul3A_805 = vector.broadcast %mul3A_804 : i32 to vector<16xi32>
    %mul3A_806 = arith.muli %sub3A_796, %mul3A_805 : vector<16xi32>
    %mul3A_807 = arith.constant 128 : i32
    %mul3A_808 = vector.broadcast %mul3A_807 : i32 to vector<16xi32>
    %mul3A_809 = arith.muli %get3A_786, %mul3A_808 : vector<16xi32>
    %add3A_810 = arith.addi %mul3A_806, %mul3A_809 : vector<16xi32>
    %and3A_811 = arith.constant 127 : i32
    %and3A_812 = vector.broadcast %and3A_811 : i32 to vector<16xi32>
    %and3A_813 = arith.andi %get3A_789, %and3A_812 : vector<16xi32>
    %add3A_814 = arith.addi %add3A_810, %and3A_813 : vector<16xi32>
    %add3A_815 = arith.constant 261168 : i32
    %add3A_816 = vector.broadcast %add3A_815 : i32 to vector<16xi32>
    %add3A_817 = arith.addi %add3A_816, %iota3A : vector<16xi32>
    %select_n3A_818 = arith.select %and3A_803, %add3A_814, %add3A_817 : vector<16xi1>, vector<16xi32>
    %swap3A_819 = arith.constant 2 : i32
    %swap3A_820 = arith.index_cast %swap3A_819 : i32 to index
    %swap3A_821 = arith.constant 48 : index
    %swap3A_822 = tpu.vector_load %arg10[%swap3A_820, %swap3A_821] {strides = array<i32>} : memref<4x128xi32, #tpu.memory_space<vmem>>, vector<1x16xi32>,
    %swap3A_823 = vector.shape_cast %swap3A_822 : vector<1x16xi32> to vector<16xi32>
    %swap3A_824 = vector.shape_cast %select_n3A_818 : vector<16xi32> to vector<1x16xi32>
    tpu.vector_store %arg10[%swap3A_820, %swap3A_821], %swap3A_824 {strides = array<i32>} : memref<4x128xi32, #tpu.memory_space<vmem>>, vector<1x16xi32>,
    %get3A_825 = arith.constant 320 : index
    %get3A_826 = tpu.vector_load %arg7[%get3A_825] {strides = array<i32>} : memref<512xi32, #tpu.memory_space<vmem>>, vector<16xi32>,
    %get3A_827 = vector.shape_cast %get3A_826 : vector<16xi32> to vector<16xi32>
    %get3A_828 = arith.constant 320 : index
    %get3A_829 = tpu.vector_load %arg8[%get3A_828] {strides = array<i32>} : memref<512xi32, #tpu.memory_space<vmem>>, vector<16xi32>,
    %get3A_830 = vector.shape_cast %get3A_829 : vector<16xi32> to vector<16xi32>
    %shift_right_arithmetic3A_831 = arith.constant 7 : i32
    %shift_right_arithmetic3A_832 = vector.broadcast %shift_right_arithmetic3A_831 : i32 to vector<16xi32>
    %shift_right_arithmetic3A_833 = arith.shrsi %get3A_830, %shift_right_arithmetic3A_832 : vector<16xi32>
    %mul3A_834 = arith.constant 3 : i32
    %mul3A_835 = arith.muli %mul3A_834, %arg0 : i32
    %sub3A_836 = vector.broadcast %mul3A_835 : i32 to vector<16xi32>
    %sub3A_837 = arith.subi %shift_right_arithmetic3A_833, %sub3A_836 : vector<16xi32>
    %ge3A_838 = arith.constant 0 : i32
    %ge3A_839 = vector.broadcast %ge3A_838 : i32 to vector<16xi32>
    %ge3A_840 = arith.cmpi sge, %sub3A_837, %ge3A_839 : vector<16xi32>
    %lt3A_841 = arith.constant 3 : i32
    %lt3A_842 = vector.broadcast %lt3A_841 : i32 to vector<16xi32>
    %lt3A_843 = arith.cmpi slt, %sub3A_837, %lt3A_842 : vector<16xi32>
    %and3A_844 = arith.andi %ge3A_840, %lt3A_843 : vector<16xi1>
    %mul3A_845 = arith.constant 87040 : i32
    %mul3A_846 = vector.broadcast %mul3A_845 : i32 to vector<16xi32>
    %mul3A_847 = arith.muli %sub3A_837, %mul3A_846 : vector<16xi32>
    %mul3A_848 = arith.constant 128 : i32
    %mul3A_849 = vector.broadcast %mul3A_848 : i32 to vector<16xi32>
    %mul3A_850 = arith.muli %get3A_827, %mul3A_849 : vector<16xi32>
    %add3A_851 = arith.addi %mul3A_847, %mul3A_850 : vector<16xi32>
    %and3A_852 = arith.constant 127 : i32
    %and3A_853 = vector.broadcast %and3A_852 : i32 to vector<16xi32>
    %and3A_854 = arith.andi %get3A_830, %and3A_853 : vector<16xi32>
    %add3A_855 = arith.addi %add3A_851, %and3A_854 : vector<16xi32>
    %add3A_856 = arith.constant 261184 : i32
    %add3A_857 = vector.broadcast %add3A_856 : i32 to vector<16xi32>
    %add3A_858 = arith.addi %add3A_857, %iota3A : vector<16xi32>
    %select_n3A_859 = arith.select %and3A_844, %add3A_855, %add3A_858 : vector<16xi1>, vector<16xi32>
    %swap3A_860 = arith.constant 2 : i32
    %swap3A_861 = arith.index_cast %swap3A_860 : i32 to index
    %swap3A_862 = arith.constant 64 : index
    %swap3A_863 = tpu.vector_load %arg10[%swap3A_861, %swap3A_862] {strides = array<i32>} : memref<4x128xi32, #tpu.memory_space<vmem>>, vector<1x16xi32>,
    %swap3A_864 = vector.shape_cast %swap3A_863 : vector<1x16xi32> to vector<16xi32>
    %swap3A_865 = vector.shape_cast %select_n3A_859 : vector<16xi32> to vector<1x16xi32>
    tpu.vector_store %arg10[%swap3A_861, %swap3A_862], %swap3A_865 {strides = array<i32>} : memref<4x128xi32, #tpu.memory_space<vmem>>, vector<1x16xi32>,
    %get3A_866 = arith.constant 336 : index
    %get3A_867 = tpu.vector_load %arg7[%get3A_866] {strides = array<i32>} : memref<512xi32, #tpu.memory_space<vmem>>, vector<16xi32>,
    %get3A_868 = vector.shape_cast %get3A_867 : vector<16xi32> to vector<16xi32>
    %get3A_869 = arith.constant 336 : index
    %get3A_870 = tpu.vector_load %arg8[%get3A_869] {strides = array<i32>} : memref<512xi32, #tpu.memory_space<vmem>>, vector<16xi32>,
    %get3A_871 = vector.shape_cast %get3A_870 : vector<16xi32> to vector<16xi32>
    %shift_right_arithmetic3A_872 = arith.constant 7 : i32
    %shift_right_arithmetic3A_873 = vector.broadcast %shift_right_arithmetic3A_872 : i32 to vector<16xi32>
    %shift_right_arithmetic3A_874 = arith.shrsi %get3A_871, %shift_right_arithmetic3A_873 : vector<16xi32>
    %mul3A_875 = arith.constant 3 : i32
    %mul3A_876 = arith.muli %mul3A_875, %arg0 : i32
    %sub3A_877 = vector.broadcast %mul3A_876 : i32 to vector<16xi32>
    %sub3A_878 = arith.subi %shift_right_arithmetic3A_874, %sub3A_877 : vector<16xi32>
    %ge3A_879 = arith.constant 0 : i32
    %ge3A_880 = vector.broadcast %ge3A_879 : i32 to vector<16xi32>
    %ge3A_881 = arith.cmpi sge, %sub3A_878, %ge3A_880 : vector<16xi32>
    %lt3A_882 = arith.constant 3 : i32
    %lt3A_883 = vector.broadcast %lt3A_882 : i32 to vector<16xi32>
    %lt3A_884 = arith.cmpi slt, %sub3A_878, %lt3A_883 : vector<16xi32>
    %and3A_885 = arith.andi %ge3A_881, %lt3A_884 : vector<16xi1>
    %mul3A_886 = arith.constant 87040 : i32
    %mul3A_887 = vector.broadcast %mul3A_886 : i32 to vector<16xi32>
    %mul3A_888 = arith.muli %sub3A_878, %mul3A_887 : vector<16xi32>
    %mul3A_889 = arith.constant 128 : i32
    %mul3A_890 = vector.broadcast %mul3A_889 : i32 to vector<16xi32>
    %mul3A_891 = arith.muli %get3A_868, %mul3A_890 : vector<16xi32>
    %add3A_892 = arith.addi %mul3A_888, %mul3A_891 : vector<16xi32>
    %and3A_893 = arith.constant 127 : i32
    %and3A_894 = vector.broadcast %and3A_893 : i32 to vector<16xi32>
    %and3A_895 = arith.andi %get3A_871, %and3A_894 : vector<16xi32>
    %add3A_896 = arith.addi %add3A_892, %and3A_895 : vector<16xi32>
    %add3A_897 = arith.constant 261200 : i32
    %add3A_898 = vector.broadcast %add3A_897 : i32 to vector<16xi32>
    %add3A_899 = arith.addi %add3A_898, %iota3A : vector<16xi32>
    %select_n3A_900 = arith.select %and3A_885, %add3A_896, %add3A_899 : vector<16xi1>, vector<16xi32>
    %swap3A_901 = arith.constant 2 : i32
    %swap3A_902 = arith.index_cast %swap3A_901 : i32 to index
    %swap3A_903 = arith.constant 80 : index
    %swap3A_904 = tpu.vector_load %arg10[%swap3A_902, %swap3A_903] {strides = array<i32>} : memref<4x128xi32, #tpu.memory_space<vmem>>, vector<1x16xi32>,
    %swap3A_905 = vector.shape_cast %swap3A_904 : vector<1x16xi32> to vector<16xi32>
    %swap3A_906 = vector.shape_cast %select_n3A_900 : vector<16xi32> to vector<1x16xi32>
    tpu.vector_store %arg10[%swap3A_902, %swap3A_903], %swap3A_906 {strides = array<i32>} : memref<4x128xi32, #tpu.memory_space<vmem>>, vector<1x16xi32>,
    %get3A_907 = arith.constant 352 : index
    %get3A_908 = tpu.vector_load %arg7[%get3A_907] {strides = array<i32>} : memref<512xi32, #tpu.memory_space<vmem>>, vector<16xi32>,
    %get3A_909 = vector.shape_cast %get3A_908 : vector<16xi32> to vector<16xi32>
    %get3A_910 = arith.constant 352 : index
    %get3A_911 = tpu.vector_load %arg8[%get3A_910] {strides = array<i32>} : memref<512xi32, #tpu.memory_space<vmem>>, vector<16xi32>,
    %get3A_912 = vector.shape_cast %get3A_911 : vector<16xi32> to vector<16xi32>
    %shift_right_arithmetic3A_913 = arith.constant 7 : i32
    %shift_right_arithmetic3A_914 = vector.broadcast %shift_right_arithmetic3A_913 : i32 to vector<16xi32>
    %shift_right_arithmetic3A_915 = arith.shrsi %get3A_912, %shift_right_arithmetic3A_914 : vector<16xi32>
    %mul3A_916 = arith.constant 3 : i32
    %mul3A_917 = arith.muli %mul3A_916, %arg0 : i32
    %sub3A_918 = vector.broadcast %mul3A_917 : i32 to vector<16xi32>
    %sub3A_919 = arith.subi %shift_right_arithmetic3A_915, %sub3A_918 : vector<16xi32>
    %ge3A_920 = arith.constant 0 : i32
    %ge3A_921 = vector.broadcast %ge3A_920 : i32 to vector<16xi32>
    %ge3A_922 = arith.cmpi sge, %sub3A_919, %ge3A_921 : vector<16xi32>
    %lt3A_923 = arith.constant 3 : i32
    %lt3A_924 = vector.broadcast %lt3A_923 : i32 to vector<16xi32>
    %lt3A_925 = arith.cmpi slt, %sub3A_919, %lt3A_924 : vector<16xi32>
    %and3A_926 = arith.andi %ge3A_922, %lt3A_925 : vector<16xi1>
    %mul3A_927 = arith.constant 87040 : i32
    %mul3A_928 = vector.broadcast %mul3A_927 : i32 to vector<16xi32>
    %mul3A_929 = arith.muli %sub3A_919, %mul3A_928 : vector<16xi32>
    %mul3A_930 = arith.constant 128 : i32
    %mul3A_931 = vector.broadcast %mul3A_930 : i32 to vector<16xi32>
    %mul3A_932 = arith.muli %get3A_909, %mul3A_931 : vector<16xi32>
    %add3A_933 = arith.addi %mul3A_929, %mul3A_932 : vector<16xi32>
    %and3A_934 = arith.constant 127 : i32
    %and3A_935 = vector.broadcast %and3A_934 : i32 to vector<16xi32>
    %and3A_936 = arith.andi %get3A_912, %and3A_935 : vector<16xi32>
    %add3A_937 = arith.addi %add3A_933, %and3A_936 : vector<16xi32>
    %add3A_938 = arith.constant 261216 : i32
    %add3A_939 = vector.broadcast %add3A_938 : i32 to vector<16xi32>
    %add3A_940 = arith.addi %add3A_939, %iota3A : vector<16xi32>
    %select_n3A_941 = arith.select %and3A_926, %add3A_937, %add3A_940 : vector<16xi1>, vector<16xi32>
    %swap3A_942 = arith.constant 2 : i32
    %swap3A_943 = arith.index_cast %swap3A_942 : i32 to index
    %swap3A_944 = arith.constant 96 : index
    %swap3A_945 = tpu.vector_load %arg10[%swap3A_943, %swap3A_944] {strides = array<i32>} : memref<4x128xi32, #tpu.memory_space<vmem>>, vector<1x16xi32>,
    %swap3A_946 = vector.shape_cast %swap3A_945 : vector<1x16xi32> to vector<16xi32>
    %swap3A_947 = vector.shape_cast %select_n3A_941 : vector<16xi32> to vector<1x16xi32>
    tpu.vector_store %arg10[%swap3A_943, %swap3A_944], %swap3A_947 {strides = array<i32>} : memref<4x128xi32, #tpu.memory_space<vmem>>, vector<1x16xi32>,
    %get3A_948 = arith.constant 368 : index
    %get3A_949 = tpu.vector_load %arg7[%get3A_948] {strides = array<i32>} : memref<512xi32, #tpu.memory_space<vmem>>, vector<16xi32>,
    %get3A_950 = vector.shape_cast %get3A_949 : vector<16xi32> to vector<16xi32>
    %get3A_951 = arith.constant 368 : index
    %get3A_952 = tpu.vector_load %arg8[%get3A_951] {strides = array<i32>} : memref<512xi32, #tpu.memory_space<vmem>>, vector<16xi32>,
    %get3A_953 = vector.shape_cast %get3A_952 : vector<16xi32> to vector<16xi32>
    %shift_right_arithmetic3A_954 = arith.constant 7 : i32
    %shift_right_arithmetic3A_955 = vector.broadcast %shift_right_arithmetic3A_954 : i32 to vector<16xi32>
    %shift_right_arithmetic3A_956 = arith.shrsi %get3A_953, %shift_right_arithmetic3A_955 : vector<16xi32>
    %mul3A_957 = arith.constant 3 : i32
    %mul3A_958 = arith.muli %mul3A_957, %arg0 : i32
    %sub3A_959 = vector.broadcast %mul3A_958 : i32 to vector<16xi32>
    %sub3A_960 = arith.subi %shift_right_arithmetic3A_956, %sub3A_959 : vector<16xi32>
    %ge3A_961 = arith.constant 0 : i32
    %ge3A_962 = vector.broadcast %ge3A_961 : i32 to vector<16xi32>
    %ge3A_963 = arith.cmpi sge, %sub3A_960, %ge3A_962 : vector<16xi32>
    %lt3A_964 = arith.constant 3 : i32
    %lt3A_965 = vector.broadcast %lt3A_964 : i32 to vector<16xi32>
    %lt3A_966 = arith.cmpi slt, %sub3A_960, %lt3A_965 : vector<16xi32>
    %and3A_967 = arith.andi %ge3A_963, %lt3A_966 : vector<16xi1>
    %mul3A_968 = arith.constant 87040 : i32
    %mul3A_969 = vector.broadcast %mul3A_968 : i32 to vector<16xi32>
    %mul3A_970 = arith.muli %sub3A_960, %mul3A_969 : vector<16xi32>
    %mul3A_971 = arith.constant 128 : i32
    %mul3A_972 = vector.broadcast %mul3A_971 : i32 to vector<16xi32>
    %mul3A_973 = arith.muli %get3A_950, %mul3A_972 : vector<16xi32>
    %add3A_974 = arith.addi %mul3A_970, %mul3A_973 : vector<16xi32>
    %and3A_975 = arith.constant 127 : i32
    %and3A_976 = vector.broadcast %and3A_975 : i32 to vector<16xi32>
    %and3A_977 = arith.andi %get3A_953, %and3A_976 : vector<16xi32>
    %add3A_978 = arith.addi %add3A_974, %and3A_977 : vector<16xi32>
    %add3A_979 = arith.constant 261232 : i32
    %add3A_980 = vector.broadcast %add3A_979 : i32 to vector<16xi32>
    %add3A_981 = arith.addi %add3A_980, %iota3A : vector<16xi32>
    %select_n3A_982 = arith.select %and3A_967, %add3A_978, %add3A_981 : vector<16xi1>, vector<16xi32>
    %swap3A_983 = arith.constant 2 : i32
    %swap3A_984 = arith.index_cast %swap3A_983 : i32 to index
    %swap3A_985 = arith.constant 112 : index
    %swap3A_986 = tpu.vector_load %arg10[%swap3A_984, %swap3A_985] {strides = array<i32>} : memref<4x128xi32, #tpu.memory_space<vmem>>, vector<1x16xi32>,
    %swap3A_987 = vector.shape_cast %swap3A_986 : vector<1x16xi32> to vector<16xi32>
    %swap3A_988 = vector.shape_cast %select_n3A_982 : vector<16xi32> to vector<1x16xi32>
    tpu.vector_store %arg10[%swap3A_984, %swap3A_985], %swap3A_988 {strides = array<i32>} : memref<4x128xi32, #tpu.memory_space<vmem>>, vector<1x16xi32>,
    %get3A_989 = arith.constant 384 : index
    %get3A_990 = tpu.vector_load %arg7[%get3A_989] {strides = array<i32>} : memref<512xi32, #tpu.memory_space<vmem>>, vector<16xi32>,
    %get3A_991 = vector.shape_cast %get3A_990 : vector<16xi32> to vector<16xi32>
    %get3A_992 = arith.constant 384 : index
    %get3A_993 = tpu.vector_load %arg8[%get3A_992] {strides = array<i32>} : memref<512xi32, #tpu.memory_space<vmem>>, vector<16xi32>,
    %get3A_994 = vector.shape_cast %get3A_993 : vector<16xi32> to vector<16xi32>
    %shift_right_arithmetic3A_995 = arith.constant 7 : i32
    %shift_right_arithmetic3A_996 = vector.broadcast %shift_right_arithmetic3A_995 : i32 to vector<16xi32>
    %shift_right_arithmetic3A_997 = arith.shrsi %get3A_994, %shift_right_arithmetic3A_996 : vector<16xi32>
    %mul3A_998 = arith.constant 3 : i32
    %mul3A_999 = arith.muli %mul3A_998, %arg0 : i32
    %sub3A_1000 = vector.broadcast %mul3A_999 : i32 to vector<16xi32>
    %sub3A_1001 = arith.subi %shift_right_arithmetic3A_997, %sub3A_1000 : vector<16xi32>
    %ge3A_1002 = arith.constant 0 : i32
    %ge3A_1003 = vector.broadcast %ge3A_1002 : i32 to vector<16xi32>
    %ge3A_1004 = arith.cmpi sge, %sub3A_1001, %ge3A_1003 : vector<16xi32>
    %lt3A_1005 = arith.constant 3 : i32
    %lt3A_1006 = vector.broadcast %lt3A_1005 : i32 to vector<16xi32>
    %lt3A_1007 = arith.cmpi slt, %sub3A_1001, %lt3A_1006 : vector<16xi32>
    %and3A_1008 = arith.andi %ge3A_1004, %lt3A_1007 : vector<16xi1>
    %mul3A_1009 = arith.constant 87040 : i32
    %mul3A_1010 = vector.broadcast %mul3A_1009 : i32 to vector<16xi32>
    %mul3A_1011 = arith.muli %sub3A_1001, %mul3A_1010 : vector<16xi32>
    %mul3A_1012 = arith.constant 128 : i32
    %mul3A_1013 = vector.broadcast %mul3A_1012 : i32 to vector<16xi32>
    %mul3A_1014 = arith.muli %get3A_991, %mul3A_1013 : vector<16xi32>
    %add3A_1015 = arith.addi %mul3A_1011, %mul3A_1014 : vector<16xi32>
    %and3A_1016 = arith.constant 127 : i32
    %and3A_1017 = vector.broadcast %and3A_1016 : i32 to vector<16xi32>
    %and3A_1018 = arith.andi %get3A_994, %and3A_1017 : vector<16xi32>
    %add3A_1019 = arith.addi %add3A_1015, %and3A_1018 : vector<16xi32>
    %add3A_1020 = arith.constant 261120 : i32
    %add3A_1021 = vector.broadcast %add3A_1020 : i32 to vector<16xi32>
    %add3A_1022 = arith.addi %add3A_1021, %iota3A : vector<16xi32>
    %select_n3A_1023 = arith.select %and3A_1008, %add3A_1019, %add3A_1022 : vector<16xi1>, vector<16xi32>
    %swap3A_1024 = arith.constant 3 : i32
    %swap3A_1025 = arith.index_cast %swap3A_1024 : i32 to index
    %swap3A_1026 = arith.constant 0 : index
    %swap3A_1027 = tpu.vector_load %arg10[%swap3A_1025, %swap3A_1026] {strides = array<i32>} : memref<4x128xi32, #tpu.memory_space<vmem>>, vector<1x16xi32>,
    %swap3A_1028 = vector.shape_cast %swap3A_1027 : vector<1x16xi32> to vector<16xi32>
    %swap3A_1029 = vector.shape_cast %select_n3A_1023 : vector<16xi32> to vector<1x16xi32>
    tpu.vector_store %arg10[%swap3A_1025, %swap3A_1026], %swap3A_1029 {strides = array<i32>} : memref<4x128xi32, #tpu.memory_space<vmem>>, vector<1x16xi32>,
    %get3A_1030 = arith.constant 400 : index
    %get3A_1031 = tpu.vector_load %arg7[%get3A_1030] {strides = array<i32>} : memref<512xi32, #tpu.memory_space<vmem>>, vector<16xi32>,
    %get3A_1032 = vector.shape_cast %get3A_1031 : vector<16xi32> to vector<16xi32>
    %get3A_1033 = arith.constant 400 : index
    %get3A_1034 = tpu.vector_load %arg8[%get3A_1033] {strides = array<i32>} : memref<512xi32, #tpu.memory_space<vmem>>, vector<16xi32>,
    %get3A_1035 = vector.shape_cast %get3A_1034 : vector<16xi32> to vector<16xi32>
    %shift_right_arithmetic3A_1036 = arith.constant 7 : i32
    %shift_right_arithmetic3A_1037 = vector.broadcast %shift_right_arithmetic3A_1036 : i32 to vector<16xi32>
    %shift_right_arithmetic3A_1038 = arith.shrsi %get3A_1035, %shift_right_arithmetic3A_1037 : vector<16xi32>
    %mul3A_1039 = arith.constant 3 : i32
    %mul3A_1040 = arith.muli %mul3A_1039, %arg0 : i32
    %sub3A_1041 = vector.broadcast %mul3A_1040 : i32 to vector<16xi32>
    %sub3A_1042 = arith.subi %shift_right_arithmetic3A_1038, %sub3A_1041 : vector<16xi32>
    %ge3A_1043 = arith.constant 0 : i32
    %ge3A_1044 = vector.broadcast %ge3A_1043 : i32 to vector<16xi32>
    %ge3A_1045 = arith.cmpi sge, %sub3A_1042, %ge3A_1044 : vector<16xi32>
    %lt3A_1046 = arith.constant 3 : i32
    %lt3A_1047 = vector.broadcast %lt3A_1046 : i32 to vector<16xi32>
    %lt3A_1048 = arith.cmpi slt, %sub3A_1042, %lt3A_1047 : vector<16xi32>
    %and3A_1049 = arith.andi %ge3A_1045, %lt3A_1048 : vector<16xi1>
    %mul3A_1050 = arith.constant 87040 : i32
    %mul3A_1051 = vector.broadcast %mul3A_1050 : i32 to vector<16xi32>
    %mul3A_1052 = arith.muli %sub3A_1042, %mul3A_1051 : vector<16xi32>
    %mul3A_1053 = arith.constant 128 : i32
    %mul3A_1054 = vector.broadcast %mul3A_1053 : i32 to vector<16xi32>
    %mul3A_1055 = arith.muli %get3A_1032, %mul3A_1054 : vector<16xi32>
    %add3A_1056 = arith.addi %mul3A_1052, %mul3A_1055 : vector<16xi32>
    %and3A_1057 = arith.constant 127 : i32
    %and3A_1058 = vector.broadcast %and3A_1057 : i32 to vector<16xi32>
    %and3A_1059 = arith.andi %get3A_1035, %and3A_1058 : vector<16xi32>
    %add3A_1060 = arith.addi %add3A_1056, %and3A_1059 : vector<16xi32>
    %add3A_1061 = arith.constant 261136 : i32
    %add3A_1062 = vector.broadcast %add3A_1061 : i32 to vector<16xi32>
    %add3A_1063 = arith.addi %add3A_1062, %iota3A : vector<16xi32>
    %select_n3A_1064 = arith.select %and3A_1049, %add3A_1060, %add3A_1063 : vector<16xi1>, vector<16xi32>
    %swap3A_1065 = arith.constant 3 : i32
    %swap3A_1066 = arith.index_cast %swap3A_1065 : i32 to index
    %swap3A_1067 = arith.constant 16 : index
    %swap3A_1068 = tpu.vector_load %arg10[%swap3A_1066, %swap3A_1067] {strides = array<i32>} : memref<4x128xi32, #tpu.memory_space<vmem>>, vector<1x16xi32>,
    %swap3A_1069 = vector.shape_cast %swap3A_1068 : vector<1x16xi32> to vector<16xi32>
    %swap3A_1070 = vector.shape_cast %select_n3A_1064 : vector<16xi32> to vector<1x16xi32>
    tpu.vector_store %arg10[%swap3A_1066, %swap3A_1067], %swap3A_1070 {strides = array<i32>} : memref<4x128xi32, #tpu.memory_space<vmem>>, vector<1x16xi32>,
    %get3A_1071 = arith.constant 416 : index
    %get3A_1072 = tpu.vector_load %arg7[%get3A_1071] {strides = array<i32>} : memref<512xi32, #tpu.memory_space<vmem>>, vector<16xi32>,
    %get3A_1073 = vector.shape_cast %get3A_1072 : vector<16xi32> to vector<16xi32>
    %get3A_1074 = arith.constant 416 : index
    %get3A_1075 = tpu.vector_load %arg8[%get3A_1074] {strides = array<i32>} : memref<512xi32, #tpu.memory_space<vmem>>, vector<16xi32>,
    %get3A_1076 = vector.shape_cast %get3A_1075 : vector<16xi32> to vector<16xi32>
    %shift_right_arithmetic3A_1077 = arith.constant 7 : i32
    %shift_right_arithmetic3A_1078 = vector.broadcast %shift_right_arithmetic3A_1077 : i32 to vector<16xi32>
    %shift_right_arithmetic3A_1079 = arith.shrsi %get3A_1076, %shift_right_arithmetic3A_1078 : vector<16xi32>
    %mul3A_1080 = arith.constant 3 : i32
    %mul3A_1081 = arith.muli %mul3A_1080, %arg0 : i32
    %sub3A_1082 = vector.broadcast %mul3A_1081 : i32 to vector<16xi32>
    %sub3A_1083 = arith.subi %shift_right_arithmetic3A_1079, %sub3A_1082 : vector<16xi32>
    %ge3A_1084 = arith.constant 0 : i32
    %ge3A_1085 = vector.broadcast %ge3A_1084 : i32 to vector<16xi32>
    %ge3A_1086 = arith.cmpi sge, %sub3A_1083, %ge3A_1085 : vector<16xi32>
    %lt3A_1087 = arith.constant 3 : i32
    %lt3A_1088 = vector.broadcast %lt3A_1087 : i32 to vector<16xi32>
    %lt3A_1089 = arith.cmpi slt, %sub3A_1083, %lt3A_1088 : vector<16xi32>
    %and3A_1090 = arith.andi %ge3A_1086, %lt3A_1089 : vector<16xi1>
    %mul3A_1091 = arith.constant 87040 : i32
    %mul3A_1092 = vector.broadcast %mul3A_1091 : i32 to vector<16xi32>
    %mul3A_1093 = arith.muli %sub3A_1083, %mul3A_1092 : vector<16xi32>
    %mul3A_1094 = arith.constant 128 : i32
    %mul3A_1095 = vector.broadcast %mul3A_1094 : i32 to vector<16xi32>
    %mul3A_1096 = arith.muli %get3A_1073, %mul3A_1095 : vector<16xi32>
    %add3A_1097 = arith.addi %mul3A_1093, %mul3A_1096 : vector<16xi32>
    %and3A_1098 = arith.constant 127 : i32
    %and3A_1099 = vector.broadcast %and3A_1098 : i32 to vector<16xi32>
    %and3A_1100 = arith.andi %get3A_1076, %and3A_1099 : vector<16xi32>
    %add3A_1101 = arith.addi %add3A_1097, %and3A_1100 : vector<16xi32>
    %add3A_1102 = arith.constant 261152 : i32
    %add3A_1103 = vector.broadcast %add3A_1102 : i32 to vector<16xi32>
    %add3A_1104 = arith.addi %add3A_1103, %iota3A : vector<16xi32>
    %select_n3A_1105 = arith.select %and3A_1090, %add3A_1101, %add3A_1104 : vector<16xi1>, vector<16xi32>
    %swap3A_1106 = arith.constant 3 : i32
    %swap3A_1107 = arith.index_cast %swap3A_1106 : i32 to index
    %swap3A_1108 = arith.constant 32 : index
    %swap3A_1109 = tpu.vector_load %arg10[%swap3A_1107, %swap3A_1108] {strides = array<i32>} : memref<4x128xi32, #tpu.memory_space<vmem>>, vector<1x16xi32>,
    %swap3A_1110 = vector.shape_cast %swap3A_1109 : vector<1x16xi32> to vector<16xi32>
    %swap3A_1111 = vector.shape_cast %select_n3A_1105 : vector<16xi32> to vector<1x16xi32>
    tpu.vector_store %arg10[%swap3A_1107, %swap3A_1108], %swap3A_1111 {strides = array<i32>} : memref<4x128xi32, #tpu.memory_space<vmem>>, vector<1x16xi32>,
    %get3A_1112 = arith.constant 432 : index
    %get3A_1113 = tpu.vector_load %arg7[%get3A_1112] {strides = array<i32>} : memref<512xi32, #tpu.memory_space<vmem>>, vector<16xi32>,
    %get3A_1114 = vector.shape_cast %get3A_1113 : vector<16xi32> to vector<16xi32>
    %get3A_1115 = arith.constant 432 : index
    %get3A_1116 = tpu.vector_load %arg8[%get3A_1115] {strides = array<i32>} : memref<512xi32, #tpu.memory_space<vmem>>, vector<16xi32>,
    %get3A_1117 = vector.shape_cast %get3A_1116 : vector<16xi32> to vector<16xi32>
    %shift_right_arithmetic3A_1118 = arith.constant 7 : i32
    %shift_right_arithmetic3A_1119 = vector.broadcast %shift_right_arithmetic3A_1118 : i32 to vector<16xi32>
    %shift_right_arithmetic3A_1120 = arith.shrsi %get3A_1117, %shift_right_arithmetic3A_1119 : vector<16xi32>
    %mul3A_1121 = arith.constant 3 : i32
    %mul3A_1122 = arith.muli %mul3A_1121, %arg0 : i32
    %sub3A_1123 = vector.broadcast %mul3A_1122 : i32 to vector<16xi32>
    %sub3A_1124 = arith.subi %shift_right_arithmetic3A_1120, %sub3A_1123 : vector<16xi32>
    %ge3A_1125 = arith.constant 0 : i32
    %ge3A_1126 = vector.broadcast %ge3A_1125 : i32 to vector<16xi32>
    %ge3A_1127 = arith.cmpi sge, %sub3A_1124, %ge3A_1126 : vector<16xi32>
    %lt3A_1128 = arith.constant 3 : i32
    %lt3A_1129 = vector.broadcast %lt3A_1128 : i32 to vector<16xi32>
    %lt3A_1130 = arith.cmpi slt, %sub3A_1124, %lt3A_1129 : vector<16xi32>
    %and3A_1131 = arith.andi %ge3A_1127, %lt3A_1130 : vector<16xi1>
    %mul3A_1132 = arith.constant 87040 : i32
    %mul3A_1133 = vector.broadcast %mul3A_1132 : i32 to vector<16xi32>
    %mul3A_1134 = arith.muli %sub3A_1124, %mul3A_1133 : vector<16xi32>
    %mul3A_1135 = arith.constant 128 : i32
    %mul3A_1136 = vector.broadcast %mul3A_1135 : i32 to vector<16xi32>
    %mul3A_1137 = arith.muli %get3A_1114, %mul3A_1136 : vector<16xi32>
    %add3A_1138 = arith.addi %mul3A_1134, %mul3A_1137 : vector<16xi32>
    %and3A_1139 = arith.constant 127 : i32
    %and3A_1140 = vector.broadcast %and3A_1139 : i32 to vector<16xi32>
    %and3A_1141 = arith.andi %get3A_1117, %and3A_1140 : vector<16xi32>
    %add3A_1142 = arith.addi %add3A_1138, %and3A_1141 : vector<16xi32>
    %add3A_1143 = arith.constant 261168 : i32
    %add3A_1144 = vector.broadcast %add3A_1143 : i32 to vector<16xi32>
    %add3A_1145 = arith.addi %add3A_1144, %iota3A : vector<16xi32>
    %select_n3A_1146 = arith.select %and3A_1131, %add3A_1142, %add3A_1145 : vector<16xi1>, vector<16xi32>
    %swap3A_1147 = arith.constant 3 : i32
    %swap3A_1148 = arith.index_cast %swap3A_1147 : i32 to index
    %swap3A_1149 = arith.constant 48 : index
    %swap3A_1150 = tpu.vector_load %arg10[%swap3A_1148, %swap3A_1149] {strides = array<i32>} : memref<4x128xi32, #tpu.memory_space<vmem>>, vector<1x16xi32>,
    %swap3A_1151 = vector.shape_cast %swap3A_1150 : vector<1x16xi32> to vector<16xi32>
    %swap3A_1152 = vector.shape_cast %select_n3A_1146 : vector<16xi32> to vector<1x16xi32>
    tpu.vector_store %arg10[%swap3A_1148, %swap3A_1149], %swap3A_1152 {strides = array<i32>} : memref<4x128xi32, #tpu.memory_space<vmem>>, vector<1x16xi32>,
    %get3A_1153 = arith.constant 448 : index
    %get3A_1154 = tpu.vector_load %arg7[%get3A_1153] {strides = array<i32>} : memref<512xi32, #tpu.memory_space<vmem>>, vector<16xi32>,
    %get3A_1155 = vector.shape_cast %get3A_1154 : vector<16xi32> to vector<16xi32>
    %get3A_1156 = arith.constant 448 : index
    %get3A_1157 = tpu.vector_load %arg8[%get3A_1156] {strides = array<i32>} : memref<512xi32, #tpu.memory_space<vmem>>, vector<16xi32>,
    %get3A_1158 = vector.shape_cast %get3A_1157 : vector<16xi32> to vector<16xi32>
    %shift_right_arithmetic3A_1159 = arith.constant 7 : i32
    %shift_right_arithmetic3A_1160 = vector.broadcast %shift_right_arithmetic3A_1159 : i32 to vector<16xi32>
    %shift_right_arithmetic3A_1161 = arith.shrsi %get3A_1158, %shift_right_arithmetic3A_1160 : vector<16xi32>
    %mul3A_1162 = arith.constant 3 : i32
    %mul3A_1163 = arith.muli %mul3A_1162, %arg0 : i32
    %sub3A_1164 = vector.broadcast %mul3A_1163 : i32 to vector<16xi32>
    %sub3A_1165 = arith.subi %shift_right_arithmetic3A_1161, %sub3A_1164 : vector<16xi32>
    %ge3A_1166 = arith.constant 0 : i32
    %ge3A_1167 = vector.broadcast %ge3A_1166 : i32 to vector<16xi32>
    %ge3A_1168 = arith.cmpi sge, %sub3A_1165, %ge3A_1167 : vector<16xi32>
    %lt3A_1169 = arith.constant 3 : i32
    %lt3A_1170 = vector.broadcast %lt3A_1169 : i32 to vector<16xi32>
    %lt3A_1171 = arith.cmpi slt, %sub3A_1165, %lt3A_1170 : vector<16xi32>
    %and3A_1172 = arith.andi %ge3A_1168, %lt3A_1171 : vector<16xi1>
    %mul3A_1173 = arith.constant 87040 : i32
    %mul3A_1174 = vector.broadcast %mul3A_1173 : i32 to vector<16xi32>
    %mul3A_1175 = arith.muli %sub3A_1165, %mul3A_1174 : vector<16xi32>
    %mul3A_1176 = arith.constant 128 : i32
    %mul3A_1177 = vector.broadcast %mul3A_1176 : i32 to vector<16xi32>
    %mul3A_1178 = arith.muli %get3A_1155, %mul3A_1177 : vector<16xi32>
    %add3A_1179 = arith.addi %mul3A_1175, %mul3A_1178 : vector<16xi32>
    %and3A_1180 = arith.constant 127 : i32
    %and3A_1181 = vector.broadcast %and3A_1180 : i32 to vector<16xi32>
    %and3A_1182 = arith.andi %get3A_1158, %and3A_1181 : vector<16xi32>
    %add3A_1183 = arith.addi %add3A_1179, %and3A_1182 : vector<16xi32>
    %add3A_1184 = arith.constant 261184 : i32
    %add3A_1185 = vector.broadcast %add3A_1184 : i32 to vector<16xi32>
    %add3A_1186 = arith.addi %add3A_1185, %iota3A : vector<16xi32>
    %select_n3A_1187 = arith.select %and3A_1172, %add3A_1183, %add3A_1186 : vector<16xi1>, vector<16xi32>
    %swap3A_1188 = arith.constant 3 : i32
    %swap3A_1189 = arith.index_cast %swap3A_1188 : i32 to index
    %swap3A_1190 = arith.constant 64 : index
    %swap3A_1191 = tpu.vector_load %arg10[%swap3A_1189, %swap3A_1190] {strides = array<i32>} : memref<4x128xi32, #tpu.memory_space<vmem>>, vector<1x16xi32>,
    %swap3A_1192 = vector.shape_cast %swap3A_1191 : vector<1x16xi32> to vector<16xi32>
    %swap3A_1193 = vector.shape_cast %select_n3A_1187 : vector<16xi32> to vector<1x16xi32>
    tpu.vector_store %arg10[%swap3A_1189, %swap3A_1190], %swap3A_1193 {strides = array<i32>} : memref<4x128xi32, #tpu.memory_space<vmem>>, vector<1x16xi32>,
    %get3A_1194 = arith.constant 464 : index
    %get3A_1195 = tpu.vector_load %arg7[%get3A_1194] {strides = array<i32>} : memref<512xi32, #tpu.memory_space<vmem>>, vector<16xi32>,
    %get3A_1196 = vector.shape_cast %get3A_1195 : vector<16xi32> to vector<16xi32>
    %get3A_1197 = arith.constant 464 : index
    %get3A_1198 = tpu.vector_load %arg8[%get3A_1197] {strides = array<i32>} : memref<512xi32, #tpu.memory_space<vmem>>, vector<16xi32>,
    %get3A_1199 = vector.shape_cast %get3A_1198 : vector<16xi32> to vector<16xi32>
    %shift_right_arithmetic3A_1200 = arith.constant 7 : i32
    %shift_right_arithmetic3A_1201 = vector.broadcast %shift_right_arithmetic3A_1200 : i32 to vector<16xi32>
    %shift_right_arithmetic3A_1202 = arith.shrsi %get3A_1199, %shift_right_arithmetic3A_1201 : vector<16xi32>
    %mul3A_1203 = arith.constant 3 : i32
    %mul3A_1204 = arith.muli %mul3A_1203, %arg0 : i32
    %sub3A_1205 = vector.broadcast %mul3A_1204 : i32 to vector<16xi32>
    %sub3A_1206 = arith.subi %shift_right_arithmetic3A_1202, %sub3A_1205 : vector<16xi32>
    %ge3A_1207 = arith.constant 0 : i32
    %ge3A_1208 = vector.broadcast %ge3A_1207 : i32 to vector<16xi32>
    %ge3A_1209 = arith.cmpi sge, %sub3A_1206, %ge3A_1208 : vector<16xi32>
    %lt3A_1210 = arith.constant 3 : i32
    %lt3A_1211 = vector.broadcast %lt3A_1210 : i32 to vector<16xi32>
    %lt3A_1212 = arith.cmpi slt, %sub3A_1206, %lt3A_1211 : vector<16xi32>
    %and3A_1213 = arith.andi %ge3A_1209, %lt3A_1212 : vector<16xi1>
    %mul3A_1214 = arith.constant 87040 : i32
    %mul3A_1215 = vector.broadcast %mul3A_1214 : i32 to vector<16xi32>
    %mul3A_1216 = arith.muli %sub3A_1206, %mul3A_1215 : vector<16xi32>
    %mul3A_1217 = arith.constant 128 : i32
    %mul3A_1218 = vector.broadcast %mul3A_1217 : i32 to vector<16xi32>
    %mul3A_1219 = arith.muli %get3A_1196, %mul3A_1218 : vector<16xi32>
    %add3A_1220 = arith.addi %mul3A_1216, %mul3A_1219 : vector<16xi32>
    %and3A_1221 = arith.constant 127 : i32
    %and3A_1222 = vector.broadcast %and3A_1221 : i32 to vector<16xi32>
    %and3A_1223 = arith.andi %get3A_1199, %and3A_1222 : vector<16xi32>
    %add3A_1224 = arith.addi %add3A_1220, %and3A_1223 : vector<16xi32>
    %add3A_1225 = arith.constant 261200 : i32
    %add3A_1226 = vector.broadcast %add3A_1225 : i32 to vector<16xi32>
    %add3A_1227 = arith.addi %add3A_1226, %iota3A : vector<16xi32>
    %select_n3A_1228 = arith.select %and3A_1213, %add3A_1224, %add3A_1227 : vector<16xi1>, vector<16xi32>
    %swap3A_1229 = arith.constant 3 : i32
    %swap3A_1230 = arith.index_cast %swap3A_1229 : i32 to index
    %swap3A_1231 = arith.constant 80 : index
    %swap3A_1232 = tpu.vector_load %arg10[%swap3A_1230, %swap3A_1231] {strides = array<i32>} : memref<4x128xi32, #tpu.memory_space<vmem>>, vector<1x16xi32>,
    %swap3A_1233 = vector.shape_cast %swap3A_1232 : vector<1x16xi32> to vector<16xi32>
    %swap3A_1234 = vector.shape_cast %select_n3A_1228 : vector<16xi32> to vector<1x16xi32>
    tpu.vector_store %arg10[%swap3A_1230, %swap3A_1231], %swap3A_1234 {strides = array<i32>} : memref<4x128xi32, #tpu.memory_space<vmem>>, vector<1x16xi32>,
    %get3A_1235 = arith.constant 480 : index
    %get3A_1236 = tpu.vector_load %arg7[%get3A_1235] {strides = array<i32>} : memref<512xi32, #tpu.memory_space<vmem>>, vector<16xi32>,
    %get3A_1237 = vector.shape_cast %get3A_1236 : vector<16xi32> to vector<16xi32>
    %get3A_1238 = arith.constant 480 : index
    %get3A_1239 = tpu.vector_load %arg8[%get3A_1238] {strides = array<i32>} : memref<512xi32, #tpu.memory_space<vmem>>, vector<16xi32>,
    %get3A_1240 = vector.shape_cast %get3A_1239 : vector<16xi32> to vector<16xi32>
    %shift_right_arithmetic3A_1241 = arith.constant 7 : i32
    %shift_right_arithmetic3A_1242 = vector.broadcast %shift_right_arithmetic3A_1241 : i32 to vector<16xi32>
    %shift_right_arithmetic3A_1243 = arith.shrsi %get3A_1240, %shift_right_arithmetic3A_1242 : vector<16xi32>
    %mul3A_1244 = arith.constant 3 : i32
    %mul3A_1245 = arith.muli %mul3A_1244, %arg0 : i32
    %sub3A_1246 = vector.broadcast %mul3A_1245 : i32 to vector<16xi32>
    %sub3A_1247 = arith.subi %shift_right_arithmetic3A_1243, %sub3A_1246 : vector<16xi32>
    %ge3A_1248 = arith.constant 0 : i32
    %ge3A_1249 = vector.broadcast %ge3A_1248 : i32 to vector<16xi32>
    %ge3A_1250 = arith.cmpi sge, %sub3A_1247, %ge3A_1249 : vector<16xi32>
    %lt3A_1251 = arith.constant 3 : i32
    %lt3A_1252 = vector.broadcast %lt3A_1251 : i32 to vector<16xi32>
    %lt3A_1253 = arith.cmpi slt, %sub3A_1247, %lt3A_1252 : vector<16xi32>
    %and3A_1254 = arith.andi %ge3A_1250, %lt3A_1253 : vector<16xi1>
    %mul3A_1255 = arith.constant 87040 : i32
    %mul3A_1256 = vector.broadcast %mul3A_1255 : i32 to vector<16xi32>
    %mul3A_1257 = arith.muli %sub3A_1247, %mul3A_1256 : vector<16xi32>
    %mul3A_1258 = arith.constant 128 : i32
    %mul3A_1259 = vector.broadcast %mul3A_1258 : i32 to vector<16xi32>
    %mul3A_1260 = arith.muli %get3A_1237, %mul3A_1259 : vector<16xi32>
    %add3A_1261 = arith.addi %mul3A_1257, %mul3A_1260 : vector<16xi32>
    %and3A_1262 = arith.constant 127 : i32
    %and3A_1263 = vector.broadcast %and3A_1262 : i32 to vector<16xi32>
    %and3A_1264 = arith.andi %get3A_1240, %and3A_1263 : vector<16xi32>
    %add3A_1265 = arith.addi %add3A_1261, %and3A_1264 : vector<16xi32>
    %add3A_1266 = arith.constant 261216 : i32
    %add3A_1267 = vector.broadcast %add3A_1266 : i32 to vector<16xi32>
    %add3A_1268 = arith.addi %add3A_1267, %iota3A : vector<16xi32>
    %select_n3A_1269 = arith.select %and3A_1254, %add3A_1265, %add3A_1268 : vector<16xi1>, vector<16xi32>
    %swap3A_1270 = arith.constant 3 : i32
    %swap3A_1271 = arith.index_cast %swap3A_1270 : i32 to index
    %swap3A_1272 = arith.constant 96 : index
    %swap3A_1273 = tpu.vector_load %arg10[%swap3A_1271, %swap3A_1272] {strides = array<i32>} : memref<4x128xi32, #tpu.memory_space<vmem>>, vector<1x16xi32>,
    %swap3A_1274 = vector.shape_cast %swap3A_1273 : vector<1x16xi32> to vector<16xi32>
    %swap3A_1275 = vector.shape_cast %select_n3A_1269 : vector<16xi32> to vector<1x16xi32>
    tpu.vector_store %arg10[%swap3A_1271, %swap3A_1272], %swap3A_1275 {strides = array<i32>} : memref<4x128xi32, #tpu.memory_space<vmem>>, vector<1x16xi32>,
    %get3A_1276 = arith.constant 496 : index
    %get3A_1277 = tpu.vector_load %arg7[%get3A_1276] {strides = array<i32>} : memref<512xi32, #tpu.memory_space<vmem>>, vector<16xi32>,
    %get3A_1278 = vector.shape_cast %get3A_1277 : vector<16xi32> to vector<16xi32>
    %get3A_1279 = arith.constant 496 : index
    %get3A_1280 = tpu.vector_load %arg8[%get3A_1279] {strides = array<i32>} : memref<512xi32, #tpu.memory_space<vmem>>, vector<16xi32>,
    %get3A_1281 = vector.shape_cast %get3A_1280 : vector<16xi32> to vector<16xi32>
    %shift_right_arithmetic3A_1282 = arith.constant 7 : i32
    %shift_right_arithmetic3A_1283 = vector.broadcast %shift_right_arithmetic3A_1282 : i32 to vector<16xi32>
    %shift_right_arithmetic3A_1284 = arith.shrsi %get3A_1281, %shift_right_arithmetic3A_1283 : vector<16xi32>
    %mul3A_1285 = arith.constant 3 : i32
    %mul3A_1286 = arith.muli %mul3A_1285, %arg0 : i32
    %sub3A_1287 = vector.broadcast %mul3A_1286 : i32 to vector<16xi32>
    %sub3A_1288 = arith.subi %shift_right_arithmetic3A_1284, %sub3A_1287 : vector<16xi32>
    %ge3A_1289 = arith.constant 0 : i32
    %ge3A_1290 = vector.broadcast %ge3A_1289 : i32 to vector<16xi32>
    %ge3A_1291 = arith.cmpi sge, %sub3A_1288, %ge3A_1290 : vector<16xi32>
    %lt3A_1292 = arith.constant 3 : i32
    %lt3A_1293 = vector.broadcast %lt3A_1292 : i32 to vector<16xi32>
    %lt3A_1294 = arith.cmpi slt, %sub3A_1288, %lt3A_1293 : vector<16xi32>
    %and3A_1295 = arith.andi %ge3A_1291, %lt3A_1294 : vector<16xi1>
    %mul3A_1296 = arith.constant 87040 : i32
    %mul3A_1297 = vector.broadcast %mul3A_1296 : i32 to vector<16xi32>
    %mul3A_1298 = arith.muli %sub3A_1288, %mul3A_1297 : vector<16xi32>
    %mul3A_1299 = arith.constant 128 : i32
    %mul3A_1300 = vector.broadcast %mul3A_1299 : i32 to vector<16xi32>
    %mul3A_1301 = arith.muli %get3A_1278, %mul3A_1300 : vector<16xi32>
    %add3A_1302 = arith.addi %mul3A_1298, %mul3A_1301 : vector<16xi32>
    %and3A_1303 = arith.constant 127 : i32
    %and3A_1304 = vector.broadcast %and3A_1303 : i32 to vector<16xi32>
    %and3A_1305 = arith.andi %get3A_1281, %and3A_1304 : vector<16xi32>
    %add3A_1306 = arith.addi %add3A_1302, %and3A_1305 : vector<16xi32>
    %add3A_1307 = arith.constant 261232 : i32
    %add3A_1308 = vector.broadcast %add3A_1307 : i32 to vector<16xi32>
    %add3A_1309 = arith.addi %add3A_1308, %iota3A : vector<16xi32>
    %select_n3A_1310 = arith.select %and3A_1295, %add3A_1306, %add3A_1309 : vector<16xi1>, vector<16xi32>
    %swap3A_1311 = arith.constant 3 : i32
    %swap3A_1312 = arith.index_cast %swap3A_1311 : i32 to index
    %swap3A_1313 = arith.constant 112 : index
    %swap3A_1314 = tpu.vector_load %arg10[%swap3A_1312, %swap3A_1313] {strides = array<i32>} : memref<4x128xi32, #tpu.memory_space<vmem>>, vector<1x16xi32>,
    %swap3A_1315 = vector.shape_cast %swap3A_1314 : vector<1x16xi32> to vector<16xi32>
    %swap3A_1316 = vector.shape_cast %select_n3A_1310 : vector<16xi32> to vector<1x16xi32>
    tpu.vector_store %arg10[%swap3A_1312, %swap3A_1313], %swap3A_1316 {strides = array<i32>} : memref<4x128xi32, #tpu.memory_space<vmem>>, vector<1x16xi32>,
    %barrier3A = arith.constant 0 : index
    tpu.barrier barrier_id(%barrier3A)
    %run_scoped3A_1317 = arith.constant 0 : i32
    %run_scoped3A_1318 = arith.constant 0 : i32
    "tpu.region"() ({
      %run_scoped3A_1333 = tpu.sem_alloc : memref<!tpu.dma_semaphore, #tpu.memory_space<semaphore_mem>>
      %dma_start3A = arith.constant 0 : i32
      %dma_start3A_1334 = tpu.memref_slice %arg9[%run_scoped3A_1317, %dma_start3A] : memref<4x128xf32, #tpu.memory_space<vmem>> -> memref<1x128xf32, #tpu.memory_space<vmem>>
      %dma_start3A_1335 = tpu.memref_squeeze %dma_start3A_1334 : memref<1x128xf32, #tpu.memory_space<vmem>> -> memref<128xf32, #tpu.memory_space<vmem>>
      %dma_start3A_1336 = arith.constant 0 : i32
      %dma_start3A_1337 = tpu.memref_slice %arg10[%run_scoped3A_1318, %dma_start3A_1336] : memref<4x128xi32, #tpu.memory_space<vmem>> -> memref<1x128xi32, #tpu.memory_space<vmem>>
      %dma_start3A_1338 = tpu.memref_squeeze %dma_start3A_1337 : memref<1x128xi32, #tpu.memory_space<vmem>> -> memref<128xi32, #tpu.memory_space<vmem>>
      %dma_start3A_1339 = arith.constant 0 : i32
      %dma_start3A_1340 = tpu.memref_slice %arg13[%dma_start3A_1339] : memref<261248xf32, #tpu.memory_space<vmem_shared>> -> memref<261248xf32, #tpu.memory_space<vmem_shared>>
      tpu.enqueue_indirect_dma source(%dma_start3A_1335 : memref<128xf32, #tpu.memory_space<vmem>>) target(%dma_start3A_1340 : memref<261248xf32, #tpu.memory_space<vmem_shared>>) offsets(%dma_start3A_1338 : memref<128xi32, #tpu.memory_space<vmem>>) semaphore(%run_scoped3A_1333 : memref<!tpu.dma_semaphore, #tpu.memory_space<semaphore_mem>>) {add = true}
      %dma_wait3A = arith.constant 0 : i32
      %dma_wait3A_1341 = tpu.memref_slice %arg9[%run_scoped3A_1317, %dma_wait3A] : memref<4x128xf32, #tpu.memory_space<vmem>> -> memref<1x128xf32, #tpu.memory_space<vmem>>
      %dma_wait3A_1342 = tpu.memref_squeeze %dma_wait3A_1341 : memref<1x128xf32, #tpu.memory_space<vmem>> -> memref<128xf32, #tpu.memory_space<vmem>>
      %dma_wait3A_1343 = arith.constant 0 : i32
      %dma_wait3A_1344 = tpu.memref_slice %arg10[%run_scoped3A_1318, %dma_wait3A_1343] : memref<4x128xi32, #tpu.memory_space<vmem>> -> memref<1x128xi32, #tpu.memory_space<vmem>>
      %dma_wait3A_1345 = tpu.memref_squeeze %dma_wait3A_1344 : memref<1x128xi32, #tpu.memory_space<vmem>> -> memref<128xi32, #tpu.memory_space<vmem>>
      %dma_wait3A_1346 = arith.constant 0 : i32
      %dma_wait3A_1347 = tpu.memref_slice %arg13[%dma_wait3A_1346] : memref<261248xf32, #tpu.memory_space<vmem_shared>> -> memref<261248xf32, #tpu.memory_space<vmem_shared>>
      tpu.wait_indirect_dma semaphore(%run_scoped3A_1333 : memref<!tpu.dma_semaphore, #tpu.memory_space<semaphore_mem>>) src(%dma_wait3A_1342 : memref<128xf32, #tpu.memory_space<vmem>>) dst(%dma_wait3A_1347 : memref<261248xf32, #tpu.memory_space<vmem_shared>>)
      tpu.yield
    }) : () -> ()
    %run_scoped3A_1319 = arith.constant 1 : i32
    %run_scoped3A_1320 = arith.constant 1 : i32
    "tpu.region"() ({
      %run_scoped3A_1333 = tpu.sem_alloc : memref<!tpu.dma_semaphore, #tpu.memory_space<semaphore_mem>>
      %dma_start3A = arith.constant 0 : i32
      %dma_start3A_1334 = tpu.memref_slice %arg9[%run_scoped3A_1319, %dma_start3A] : memref<4x128xf32, #tpu.memory_space<vmem>> -> memref<1x128xf32, #tpu.memory_space<vmem>>
      %dma_start3A_1335 = tpu.memref_squeeze %dma_start3A_1334 : memref<1x128xf32, #tpu.memory_space<vmem>> -> memref<128xf32, #tpu.memory_space<vmem>>
      %dma_start3A_1336 = arith.constant 0 : i32
      %dma_start3A_1337 = tpu.memref_slice %arg10[%run_scoped3A_1320, %dma_start3A_1336] : memref<4x128xi32, #tpu.memory_space<vmem>> -> memref<1x128xi32, #tpu.memory_space<vmem>>
      %dma_start3A_1338 = tpu.memref_squeeze %dma_start3A_1337 : memref<1x128xi32, #tpu.memory_space<vmem>> -> memref<128xi32, #tpu.memory_space<vmem>>
      %dma_start3A_1339 = arith.constant 0 : i32
      %dma_start3A_1340 = tpu.memref_slice %arg13[%dma_start3A_1339] : memref<261248xf32, #tpu.memory_space<vmem_shared>> -> memref<261248xf32, #tpu.memory_space<vmem_shared>>
      tpu.enqueue_indirect_dma source(%dma_start3A_1335 : memref<128xf32, #tpu.memory_space<vmem>>) target(%dma_start3A_1340 : memref<261248xf32, #tpu.memory_space<vmem_shared>>) offsets(%dma_start3A_1338 : memref<128xi32, #tpu.memory_space<vmem>>) semaphore(%run_scoped3A_1333 : memref<!tpu.dma_semaphore, #tpu.memory_space<semaphore_mem>>) {add = true}
      %dma_wait3A = arith.constant 0 : i32
      %dma_wait3A_1341 = tpu.memref_slice %arg9[%run_scoped3A_1319, %dma_wait3A] : memref<4x128xf32, #tpu.memory_space<vmem>> -> memref<1x128xf32, #tpu.memory_space<vmem>>
      %dma_wait3A_1342 = tpu.memref_squeeze %dma_wait3A_1341 : memref<1x128xf32, #tpu.memory_space<vmem>> -> memref<128xf32, #tpu.memory_space<vmem>>
      %dma_wait3A_1343 = arith.constant 0 : i32
      %dma_wait3A_1344 = tpu.memref_slice %arg10[%run_scoped3A_1320, %dma_wait3A_1343] : memref<4x128xi32, #tpu.memory_space<vmem>> -> memref<1x128xi32, #tpu.memory_space<vmem>>
      %dma_wait3A_1345 = tpu.memref_squeeze %dma_wait3A_1344 : memref<1x128xi32, #tpu.memory_space<vmem>> -> memref<128xi32, #tpu.memory_space<vmem>>
      %dma_wait3A_1346 = arith.constant 0 : i32
      %dma_wait3A_1347 = tpu.memref_slice %arg13[%dma_wait3A_1346] : memref<261248xf32, #tpu.memory_space<vmem_shared>> -> memref<261248xf32, #tpu.memory_space<vmem_shared>>
      tpu.wait_indirect_dma semaphore(%run_scoped3A_1333 : memref<!tpu.dma_semaphore, #tpu.memory_space<semaphore_mem>>) src(%dma_wait3A_1342 : memref<128xf32, #tpu.memory_space<vmem>>) dst(%dma_wait3A_1347 : memref<261248xf32, #tpu.memory_space<vmem_shared>>)
      tpu.yield
    }) : () -> ()
    %run_scoped3A_1321 = arith.constant 2 : i32
    %run_scoped3A_1322 = arith.constant 2 : i32
    "tpu.region"() ({
      %run_scoped3A_1333 = tpu.sem_alloc : memref<!tpu.dma_semaphore, #tpu.memory_space<semaphore_mem>>
      %dma_start3A = arith.constant 0 : i32
      %dma_start3A_1334 = tpu.memref_slice %arg9[%run_scoped3A_1321, %dma_start3A] : memref<4x128xf32, #tpu.memory_space<vmem>> -> memref<1x128xf32, #tpu.memory_space<vmem>>
      %dma_start3A_1335 = tpu.memref_squeeze %dma_start3A_1334 : memref<1x128xf32, #tpu.memory_space<vmem>> -> memref<128xf32, #tpu.memory_space<vmem>>
      %dma_start3A_1336 = arith.constant 0 : i32
      %dma_start3A_1337 = tpu.memref_slice %arg10[%run_scoped3A_1322, %dma_start3A_1336] : memref<4x128xi32, #tpu.memory_space<vmem>> -> memref<1x128xi32, #tpu.memory_space<vmem>>
      %dma_start3A_1338 = tpu.memref_squeeze %dma_start3A_1337 : memref<1x128xi32, #tpu.memory_space<vmem>> -> memref<128xi32, #tpu.memory_space<vmem>>
      %dma_start3A_1339 = arith.constant 0 : i32
      %dma_start3A_1340 = tpu.memref_slice %arg13[%dma_start3A_1339] : memref<261248xf32, #tpu.memory_space<vmem_shared>> -> memref<261248xf32, #tpu.memory_space<vmem_shared>>
      tpu.enqueue_indirect_dma source(%dma_start3A_1335 : memref<128xf32, #tpu.memory_space<vmem>>) target(%dma_start3A_1340 : memref<261248xf32, #tpu.memory_space<vmem_shared>>) offsets(%dma_start3A_1338 : memref<128xi32, #tpu.memory_space<vmem>>) semaphore(%run_scoped3A_1333 : memref<!tpu.dma_semaphore, #tpu.memory_space<semaphore_mem>>) {add = true}
      %dma_wait3A = arith.constant 0 : i32
      %dma_wait3A_1341 = tpu.memref_slice %arg9[%run_scoped3A_1321, %dma_wait3A] : memref<4x128xf32, #tpu.memory_space<vmem>> -> memref<1x128xf32, #tpu.memory_space<vmem>>
      %dma_wait3A_1342 = tpu.memref_squeeze %dma_wait3A_1341 : memref<1x128xf32, #tpu.memory_space<vmem>> -> memref<128xf32, #tpu.memory_space<vmem>>
      %dma_wait3A_1343 = arith.constant 0 : i32
      %dma_wait3A_1344 = tpu.memref_slice %arg10[%run_scoped3A_1322, %dma_wait3A_1343] : memref<4x128xi32, #tpu.memory_space<vmem>> -> memref<1x128xi32, #tpu.memory_space<vmem>>
      %dma_wait3A_1345 = tpu.memref_squeeze %dma_wait3A_1344 : memref<1x128xi32, #tpu.memory_space<vmem>> -> memref<128xi32, #tpu.memory_space<vmem>>
      %dma_wait3A_1346 = arith.constant 0 : i32
      %dma_wait3A_1347 = tpu.memref_slice %arg13[%dma_wait3A_1346] : memref<261248xf32, #tpu.memory_space<vmem_shared>> -> memref<261248xf32, #tpu.memory_space<vmem_shared>>
      tpu.wait_indirect_dma semaphore(%run_scoped3A_1333 : memref<!tpu.dma_semaphore, #tpu.memory_space<semaphore_mem>>) src(%dma_wait3A_1342 : memref<128xf32, #tpu.memory_space<vmem>>) dst(%dma_wait3A_1347 : memref<261248xf32, #tpu.memory_space<vmem_shared>>)
      tpu.yield
    }) : () -> ()
    %run_scoped3A_1323 = arith.constant 3 : i32
    %run_scoped3A_1324 = arith.constant 3 : i32
    "tpu.region"() ({
      %run_scoped3A_1333 = tpu.sem_alloc : memref<!tpu.dma_semaphore, #tpu.memory_space<semaphore_mem>>
      %dma_start3A = arith.constant 0 : i32
      %dma_start3A_1334 = tpu.memref_slice %arg9[%run_scoped3A_1323, %dma_start3A] : memref<4x128xf32, #tpu.memory_space<vmem>> -> memref<1x128xf32, #tpu.memory_space<vmem>>
      %dma_start3A_1335 = tpu.memref_squeeze %dma_start3A_1334 : memref<1x128xf32, #tpu.memory_space<vmem>> -> memref<128xf32, #tpu.memory_space<vmem>>
      %dma_start3A_1336 = arith.constant 0 : i32
      %dma_start3A_1337 = tpu.memref_slice %arg10[%run_scoped3A_1324, %dma_start3A_1336] : memref<4x128xi32, #tpu.memory_space<vmem>> -> memref<1x128xi32, #tpu.memory_space<vmem>>
      %dma_start3A_1338 = tpu.memref_squeeze %dma_start3A_1337 : memref<1x128xi32, #tpu.memory_space<vmem>> -> memref<128xi32, #tpu.memory_space<vmem>>
      %dma_start3A_1339 = arith.constant 0 : i32
      %dma_start3A_1340 = tpu.memref_slice %arg13[%dma_start3A_1339] : memref<261248xf32, #tpu.memory_space<vmem_shared>> -> memref<261248xf32, #tpu.memory_space<vmem_shared>>
      tpu.enqueue_indirect_dma source(%dma_start3A_1335 : memref<128xf32, #tpu.memory_space<vmem>>) target(%dma_start3A_1340 : memref<261248xf32, #tpu.memory_space<vmem_shared>>) offsets(%dma_start3A_1338 : memref<128xi32, #tpu.memory_space<vmem>>) semaphore(%run_scoped3A_1333 : memref<!tpu.dma_semaphore, #tpu.memory_space<semaphore_mem>>) {add = true}
      %dma_wait3A = arith.constant 0 : i32
      %dma_wait3A_1341 = tpu.memref_slice %arg9[%run_scoped3A_1323, %dma_wait3A] : memref<4x128xf32, #tpu.memory_space<vmem>> -> memref<1x128xf32, #tpu.memory_space<vmem>>
      %dma_wait3A_1342 = tpu.memref_squeeze %dma_wait3A_1341 : memref<1x128xf32, #tpu.memory_space<vmem>> -> memref<128xf32, #tpu.memory_space<vmem>>
      %dma_wait3A_1343 = arith.constant 0 : i32
      %dma_wait3A_1344 = tpu.memref_slice %arg10[%run_scoped3A_1324, %dma_wait3A_1343] : memref<4x128xi32, #tpu.memory_space<vmem>> -> memref<1x128xi32, #tpu.memory_space<vmem>>
      %dma_wait3A_1345 = tpu.memref_squeeze %dma_wait3A_1344 : memref<1x128xi32, #tpu.memory_space<vmem>> -> memref<128xi32, #tpu.memory_space<vmem>>
      %dma_wait3A_1346 = arith.constant 0 : i32
      %dma_wait3A_1347 = tpu.memref_slice %arg13[%dma_wait3A_1346] : memref<261248xf32, #tpu.memory_space<vmem_shared>> -> memref<261248xf32, #tpu.memory_space<vmem_shared>>
      tpu.wait_indirect_dma semaphore(%run_scoped3A_1333 : memref<!tpu.dma_semaphore, #tpu.memory_space<semaphore_mem>>) src(%dma_wait3A_1342 : memref<128xf32, #tpu.memory_space<vmem>>) dst(%dma_wait3A_1347 : memref<261248xf32, #tpu.memory_space<vmem_shared>>)
      tpu.yield
    }) : () -> ()
    %barrier3A_1325 = arith.constant 0 : index
    tpu.barrier barrier_id(%barrier3A_1325)
    %mul3A_1326 = arith.constant 16320 : i32
    %mul3A_1327 = arith.muli %arg1, %mul3A_1326 : i32
    "tpu.region"() ({
      %run_scoped3A_1333 = tpu.sem_alloc : memref<!tpu.dma_semaphore, #tpu.memory_space<semaphore_mem>>
      %dma_start3A = tpu.memref_slice %arg13[%mul3A_1327] : memref<261248xf32, #tpu.memory_space<vmem_shared>> -> memref<16320xf32, #tpu.memory_space<vmem_shared>>
      %dma_start3A_1334 = tpu.memref_slice %arg13[%mul3A_1327] : memref<261248xf32, #tpu.memory_space<vmem_shared>> -> memref<16320xf32, #tpu.memory_space<vmem_shared>>
      tpu.enqueue_dma source(%dma_start3A_1334 : memref<16320xf32, #tpu.memory_space<vmem_shared>>) target(%arg11 : memref<16320xf32, #tpu.memory_space<vmem>>) target_semaphore(%run_scoped3A_1333 : memref<!tpu.dma_semaphore, #tpu.memory_space<semaphore_mem>>)
      %dma_wait3A = tpu.memref_slice %arg13[%mul3A_1327] : memref<261248xf32, #tpu.memory_space<vmem_shared>> -> memref<16320xf32, #tpu.memory_space<vmem_shared>>
      %dma_wait3A_1335 = tpu.memref_slice %arg13[%mul3A_1327] : memref<261248xf32, #tpu.memory_space<vmem_shared>> -> memref<16320xf32, #tpu.memory_space<vmem_shared>>
      tpu.wait_dma2 semaphore(%run_scoped3A_1333 : memref<!tpu.dma_semaphore, #tpu.memory_space<semaphore_mem>>) src(%dma_wait3A_1335 : memref<16320xf32, #tpu.memory_space<vmem_shared>>) dst(%arg11 : memref<16320xf32, #tpu.memory_space<vmem>>)
      tpu.yield
    }) : () -> ()
    %mul3A_1328 = arith.constant 261120 : i32
    %mul3A_1329 = arith.muli %arg0, %mul3A_1328 : i32
    %mul3A_1330 = arith.constant 16320 : i32
    %mul3A_1331 = arith.muli %arg1, %mul3A_1330 : i32
    %add3A_1332 = arith.addi %mul3A_1329, %mul3A_1331 : i32
    "tpu.region"() ({
      %run_scoped3A_1333 = tpu.sem_alloc : memref<!tpu.dma_semaphore, #tpu.memory_space<semaphore_mem>>
      %dma_start3A = tpu.memref_slice %arg6[%add3A_1332] : memref<522240xf32, #tpu.memory_space<hbm>> -> memref<16320xf32, #tpu.memory_space<hbm>>
      %dma_start3A_1334 = tpu.memref_slice %arg6[%add3A_1332] : memref<522240xf32, #tpu.memory_space<hbm>> -> memref<16320xf32, #tpu.memory_space<hbm>>
      tpu.enqueue_dma source(%arg11 : memref<16320xf32, #tpu.memory_space<vmem>>) target(%dma_start3A_1334 : memref<16320xf32, #tpu.memory_space<hbm>>) target_semaphore(%run_scoped3A_1333 : memref<!tpu.dma_semaphore, #tpu.memory_space<semaphore_mem>>)
      %dma_wait3A = tpu.memref_slice %arg6[%add3A_1332] : memref<522240xf32, #tpu.memory_space<hbm>> -> memref<16320xf32, #tpu.memory_space<hbm>>
      %dma_wait3A_1335 = tpu.memref_slice %arg6[%add3A_1332] : memref<522240xf32, #tpu.memory_space<hbm>> -> memref<16320xf32, #tpu.memory_space<hbm>>
      tpu.wait_dma2 semaphore(%run_scoped3A_1333 : memref<!tpu.dma_semaphore, #tpu.memory_space<semaphore_mem>>) src(%arg11 : memref<16320xf32, #tpu.memory_space<vmem>>) dst(%dma_wait3A_1335 : memref<16320xf32, #tpu.memory_space<hbm>>)
      tpu.yield
    }) : () -> ()
    return
  }
}

module attributes {stable_mosaic.version = 14 : i64} {
  func.func @_tc_body(%arg0: i32, %arg1: memref<1024x676xbf16, #tpu.memory_space<vmem>>, %arg2: memref<4080x128xf32, #tpu.memory_space<vmem>>, %arg3: memref<1x1xf32, #tpu.memory_space<smem>>, %arg4: memref<1x1xf32, #tpu.memory_space<smem>>, %arg5: memref<1x1xf32, #tpu.memory_space<smem>>, %arg6: memref<1x1xf32, #tpu.memory_space<smem>>, %arg7: memref<676x1xbf16, #tpu.memory_space<vmem>>, %arg8: memref<1x1xf32, #tpu.memory_space<smem>>, %arg9: memref<1024x1xf32, #tpu.memory_space<vmem>>, %arg10: memref<680x768xbf16, #tpu.memory_space<vmem>>) attributes {dimension_semantics = [#tpu.dimension_semantics<arbitrary>], iteration_bounds = array<i64: 4>, scalar_prefetch = 0 : i64, scratch_operands = 1 : i64, tpu.core_type = #tpu.core_type<tc>, window_params = [{transform_indices = @transform_0, window_bounds = array<i64: 1024, 676>}, {pipeline_mode = #tpu.pipeline_mode<synchronous>, transform_indices = @transform_1, window_bounds = array<i64: 4080, 128>}, {transform_indices = @transform_2, window_bounds = array<i64: 1, 1>}, {transform_indices = @transform_3, window_bounds = array<i64: 1, 1>}, {transform_indices = @transform_4, window_bounds = array<i64: 1, 1>}, {transform_indices = @transform_5, window_bounds = array<i64: 1, 1>}, {pipeline_mode = #tpu.pipeline_mode<synchronous>, transform_indices = @transform_6, window_bounds = array<i64: 676, 1>}, {transform_indices = @transform_7, window_bounds = array<i64: 1, 1>}, {transform_indices = @transform_8, window_bounds = array<i64: 1024, 1>}]} {
    %eq3A = arith.constant 0 : i32
    %eq3A_0 = arith.cmpi eq, %arg0, %eq3A : i32
    %convert_element_type3A = arith.extui %eq3A_0 : i1 to i32
    %cond3A = arith.constant 0 : i32
    %cond3A_1 = arith.cmpi ne, %convert_element_type3A, %cond3A : i32
    scf.if %cond3A_1 {
      %get3A_54 = arith.constant 0 : index
      %get3A_55 = arith.constant 0 : index
      %get3A_56 = vector.load %arg2[%get3A_54, %get3A_55] : memref<4080x128xf32, #tpu.memory_space<vmem>>, vector<680x128xf32>
      %reduce_sum3A = arith.constant dense<0.000000e+00> : vector<128xf32>
      %reduce_sum3A_57 = vector.multi_reduction <add>, %get3A_56, %reduce_sum3A [0] : vector<680x128xf32> to vector<128xf32>
      %broadcast_in_dim3A = vector.shape_cast %reduce_sum3A_57 : vector<128xf32> to vector<1x128xf32>
      %get3A_58 = arith.constant 680 : index
      %get3A_59 = arith.constant 0 : index
      %get3A_60 = vector.load %arg2[%get3A_58, %get3A_59] : memref<4080x128xf32, #tpu.memory_space<vmem>>, vector<680x128xf32>
      %reduce_sum3A_61 = arith.constant dense<0.000000e+00> : vector<128xf32>
      %reduce_sum3A_62 = vector.multi_reduction <add>, %get3A_60, %reduce_sum3A_61 [0] : vector<680x128xf32> to vector<128xf32>
      %broadcast_in_dim3A_63 = vector.shape_cast %reduce_sum3A_62 : vector<128xf32> to vector<1x128xf32>
      %get3A_64 = arith.constant 1360 : index
      %get3A_65 = arith.constant 0 : index
      %get3A_66 = vector.load %arg2[%get3A_64, %get3A_65] : memref<4080x128xf32, #tpu.memory_space<vmem>>, vector<680x128xf32>
      %reduce_sum3A_67 = arith.constant dense<0.000000e+00> : vector<128xf32>
      %reduce_sum3A_68 = vector.multi_reduction <add>, %get3A_66, %reduce_sum3A_67 [0] : vector<680x128xf32> to vector<128xf32>
      %broadcast_in_dim3A_69 = vector.shape_cast %reduce_sum3A_68 : vector<128xf32> to vector<1x128xf32>
      %get3A_70 = arith.constant 2040 : index
      %get3A_71 = arith.constant 0 : index
      %get3A_72 = vector.load %arg2[%get3A_70, %get3A_71] : memref<4080x128xf32, #tpu.memory_space<vmem>>, vector<680x128xf32>
      %reduce_sum3A_73 = arith.constant dense<0.000000e+00> : vector<128xf32>
      %reduce_sum3A_74 = vector.multi_reduction <add>, %get3A_72, %reduce_sum3A_73 [0] : vector<680x128xf32> to vector<128xf32>
      %broadcast_in_dim3A_75 = vector.shape_cast %reduce_sum3A_74 : vector<128xf32> to vector<1x128xf32>
      %get3A_76 = arith.constant 2720 : index
      %get3A_77 = arith.constant 0 : index
      %get3A_78 = vector.load %arg2[%get3A_76, %get3A_77] : memref<4080x128xf32, #tpu.memory_space<vmem>>, vector<680x128xf32>
      %reduce_sum3A_79 = arith.constant dense<0.000000e+00> : vector<128xf32>
      %reduce_sum3A_80 = vector.multi_reduction <add>, %get3A_78, %reduce_sum3A_79 [0] : vector<680x128xf32> to vector<128xf32>
      %broadcast_in_dim3A_81 = vector.shape_cast %reduce_sum3A_80 : vector<128xf32> to vector<1x128xf32>
      %get3A_82 = arith.constant 3400 : index
      %get3A_83 = arith.constant 0 : index
      %get3A_84 = vector.load %arg2[%get3A_82, %get3A_83] : memref<4080x128xf32, #tpu.memory_space<vmem>>, vector<680x128xf32>
      %reduce_sum3A_85 = arith.constant dense<0.000000e+00> : vector<128xf32>
      %reduce_sum3A_86 = vector.multi_reduction <add>, %get3A_84, %reduce_sum3A_85 [0] : vector<680x128xf32> to vector<128xf32>
      %broadcast_in_dim3A_87 = vector.shape_cast %reduce_sum3A_86 : vector<128xf32> to vector<1x128xf32>
      %concatenate3A = tpu.concatenate %broadcast_in_dim3A, %broadcast_in_dim3A_63, %broadcast_in_dim3A_69, %broadcast_in_dim3A_75, %broadcast_in_dim3A_81, %broadcast_in_dim3A_87 in 1 : vector<1x128xf32>, vector<1x128xf32>, vector<1x128xf32>, vector<1x128xf32>, vector<1x128xf32>, vector<1x128xf32> -> vector<1x768xf32>
      %add3A_88 = arith.constant 1.000000e+00 : f32
      %add3A_89 = vector.broadcast %add3A_88 : f32 to vector<1x768xf32>
      %add3A_90 = arith.addf %concatenate3A, %add3A_89 : vector<1x768xf32>
      %iota3A = tpu.iota {dimensions = array<i32: 1>} : vector<1x768xi32>
      %lt3A = arith.constant 676 : i32
      %lt3A_91 = vector.broadcast %lt3A : i32 to vector<1x768xi32>
      %lt3A_92 = arith.cmpi slt, %iota3A, %lt3A_91 : vector<1x768xi32>
      %rsqrt3A = math.rsqrt %add3A_90 : vector<1x768xf32>
      %jit3A = arith.constant 0.000000e+00 : f32
      %broadcast_in_dim3A_93 = vector.broadcast %jit3A : f32 to vector<1x768xf32>
      %select_n3A = arith.select %lt3A_92, %rsqrt3A, %broadcast_in_dim3A_93 : vector<1x768xi1>, vector<1x768xf32>
      %transpose3A = tpu.transpose %select_n3A, [1, 0] : vector<1x768xf32> -> vector<768x1xf32>
      %slice3A_94 = vector.extract_strided_slice %transpose3A {offsets = [0, 0], sizes = [680, 1], strides = [1, 1]} : vector<768x1xf32> to vector<680x1xf32>
      %iota3A_95 = tpu.iota {dimensions = array<i32: 0>} : vector<680x128xi32>
      %iota3A_96 = tpu.iota {dimensions = array<i32: 1>} : vector<680x128xi32>
      %add3A_97 = arith.constant 0 : i32
      %add3A_98 = vector.broadcast %add3A_97 : i32 to vector<680x128xi32>
      %add3A_99 = arith.addi %add3A_98, %iota3A_96 : vector<680x128xi32>
      %eq3A_100 = arith.cmpi eq, %iota3A_95, %add3A_99 : vector<680x128xi32>
      %jit3A_101 = arith.constant 1.000000e+00 : f32
      %jit3A_102 = arith.constant 0.000000e+00 : f32
      %broadcast_in_dim3A_103 = vector.broadcast %jit3A_101 : f32 to vector<680x128xf32>
      %broadcast_in_dim3A_104 = vector.broadcast %jit3A_102 : f32 to vector<680x128xf32>
      %select_n3A_105 = arith.select %eq3A_100, %broadcast_in_dim3A_103, %broadcast_in_dim3A_104 : vector<680x128xi1>, vector<680x128xf32>
      %add3A_106 = arith.addf %get3A_56, %select_n3A_105 : vector<680x128xf32>
      %mul3A_107 = vector.broadcast %slice3A_94 : vector<680x1xf32> to vector<680x128xf32>
      %mul3A_108 = arith.mulf %mul3A_107, %add3A_106 : vector<680x128xf32>
      %slice3A_109 = vector.extract_strided_slice %select_n3A {offsets = [0, 0], sizes = [1, 128], strides = [1, 1]} : vector<1x768xf32> to vector<1x128xf32>
      %mul3A_110 = vector.broadcast %slice3A_109 : vector<1x128xf32> to vector<680x128xf32>
      %mul3A_111 = arith.mulf %mul3A_108, %mul3A_110 : vector<680x128xf32>
      %convert_element_type3A_112 = arith.truncf %mul3A_111 : vector<680x128xf32> to vector<680x128xbf16>
      %swap3A_113 = arith.constant 0 : index
      %swap3A_114 = arith.constant 0 : index
      %swap3A_115 = vector.load %arg10[%swap3A_113, %swap3A_114] : memref<680x768xbf16, #tpu.memory_space<vmem>>, vector<680x128xbf16>
      tpu.vector_store %arg10[%swap3A_113, %swap3A_114], %convert_element_type3A_112 {strides = array<i32>} : memref<680x768xbf16, #tpu.memory_space<vmem>>, vector<680x128xbf16>,
      %add3A_116 = arith.constant 128 : i32
      %add3A_117 = vector.broadcast %add3A_116 : i32 to vector<680x128xi32>
      %add3A_118 = arith.addi %add3A_117, %iota3A_96 : vector<680x128xi32>
      %eq3A_119 = arith.cmpi eq, %iota3A_95, %add3A_118 : vector<680x128xi32>
      %jit3A_120 = arith.constant 1.000000e+00 : f32
      %jit3A_121 = arith.constant 0.000000e+00 : f32
      %broadcast_in_dim3A_122 = vector.broadcast %jit3A_120 : f32 to vector<680x128xf32>
      %broadcast_in_dim3A_123 = vector.broadcast %jit3A_121 : f32 to vector<680x128xf32>
      %select_n3A_124 = arith.select %eq3A_119, %broadcast_in_dim3A_122, %broadcast_in_dim3A_123 : vector<680x128xi1>, vector<680x128xf32>
      %add3A_125 = arith.addf %get3A_60, %select_n3A_124 : vector<680x128xf32>
      %mul3A_126 = vector.broadcast %slice3A_94 : vector<680x1xf32> to vector<680x128xf32>
      %mul3A_127 = arith.mulf %mul3A_126, %add3A_125 : vector<680x128xf32>
      %slice3A_128 = vector.extract_strided_slice %select_n3A {offsets = [0, 128], sizes = [1, 128], strides = [1, 1]} : vector<1x768xf32> to vector<1x128xf32>
      %mul3A_129 = vector.broadcast %slice3A_128 : vector<1x128xf32> to vector<680x128xf32>
      %mul3A_130 = arith.mulf %mul3A_127, %mul3A_129 : vector<680x128xf32>
      %convert_element_type3A_131 = arith.truncf %mul3A_130 : vector<680x128xf32> to vector<680x128xbf16>
      %swap3A_132 = arith.constant 0 : index
      %swap3A_133 = arith.constant 128 : index
      %swap3A_134 = vector.load %arg10[%swap3A_132, %swap3A_133] : memref<680x768xbf16, #tpu.memory_space<vmem>>, vector<680x128xbf16>
      tpu.vector_store %arg10[%swap3A_132, %swap3A_133], %convert_element_type3A_131 {strides = array<i32>} : memref<680x768xbf16, #tpu.memory_space<vmem>>, vector<680x128xbf16>,
      %add3A_135 = arith.constant 256 : i32
      %add3A_136 = vector.broadcast %add3A_135 : i32 to vector<680x128xi32>
      %add3A_137 = arith.addi %add3A_136, %iota3A_96 : vector<680x128xi32>
      %eq3A_138 = arith.cmpi eq, %iota3A_95, %add3A_137 : vector<680x128xi32>
      %jit3A_139 = arith.constant 1.000000e+00 : f32
      %jit3A_140 = arith.constant 0.000000e+00 : f32
      %broadcast_in_dim3A_141 = vector.broadcast %jit3A_139 : f32 to vector<680x128xf32>
      %broadcast_in_dim3A_142 = vector.broadcast %jit3A_140 : f32 to vector<680x128xf32>
      %select_n3A_143 = arith.select %eq3A_138, %broadcast_in_dim3A_141, %broadcast_in_dim3A_142 : vector<680x128xi1>, vector<680x128xf32>
      %add3A_144 = arith.addf %get3A_66, %select_n3A_143 : vector<680x128xf32>
      %mul3A_145 = vector.broadcast %slice3A_94 : vector<680x1xf32> to vector<680x128xf32>
      %mul3A_146 = arith.mulf %mul3A_145, %add3A_144 : vector<680x128xf32>
      %slice3A_147 = vector.extract_strided_slice %select_n3A {offsets = [0, 256], sizes = [1, 128], strides = [1, 1]} : vector<1x768xf32> to vector<1x128xf32>
      %mul3A_148 = vector.broadcast %slice3A_147 : vector<1x128xf32> to vector<680x128xf32>
      %mul3A_149 = arith.mulf %mul3A_146, %mul3A_148 : vector<680x128xf32>
      %convert_element_type3A_150 = arith.truncf %mul3A_149 : vector<680x128xf32> to vector<680x128xbf16>
      %swap3A_151 = arith.constant 0 : index
      %swap3A_152 = arith.constant 256 : index
      %swap3A_153 = vector.load %arg10[%swap3A_151, %swap3A_152] : memref<680x768xbf16, #tpu.memory_space<vmem>>, vector<680x128xbf16>
      tpu.vector_store %arg10[%swap3A_151, %swap3A_152], %convert_element_type3A_150 {strides = array<i32>} : memref<680x768xbf16, #tpu.memory_space<vmem>>, vector<680x128xbf16>,
      %add3A_154 = arith.constant 384 : i32
      %add3A_155 = vector.broadcast %add3A_154 : i32 to vector<680x128xi32>
      %add3A_156 = arith.addi %add3A_155, %iota3A_96 : vector<680x128xi32>
      %eq3A_157 = arith.cmpi eq, %iota3A_95, %add3A_156 : vector<680x128xi32>
      %jit3A_158 = arith.constant 1.000000e+00 : f32
      %jit3A_159 = arith.constant 0.000000e+00 : f32
      %broadcast_in_dim3A_160 = vector.broadcast %jit3A_158 : f32 to vector<680x128xf32>
      %broadcast_in_dim3A_161 = vector.broadcast %jit3A_159 : f32 to vector<680x128xf32>
      %select_n3A_162 = arith.select %eq3A_157, %broadcast_in_dim3A_160, %broadcast_in_dim3A_161 : vector<680x128xi1>, vector<680x128xf32>
      %add3A_163 = arith.addf %get3A_72, %select_n3A_162 : vector<680x128xf32>
      %mul3A_164 = vector.broadcast %slice3A_94 : vector<680x1xf32> to vector<680x128xf32>
      %mul3A_165 = arith.mulf %mul3A_164, %add3A_163 : vector<680x128xf32>
      %slice3A_166 = vector.extract_strided_slice %select_n3A {offsets = [0, 384], sizes = [1, 128], strides = [1, 1]} : vector<1x768xf32> to vector<1x128xf32>
      %mul3A_167 = vector.broadcast %slice3A_166 : vector<1x128xf32> to vector<680x128xf32>
      %mul3A_168 = arith.mulf %mul3A_165, %mul3A_167 : vector<680x128xf32>
      %convert_element_type3A_169 = arith.truncf %mul3A_168 : vector<680x128xf32> to vector<680x128xbf16>
      %swap3A_170 = arith.constant 0 : index
      %swap3A_171 = arith.constant 384 : index
      %swap3A_172 = vector.load %arg10[%swap3A_170, %swap3A_171] : memref<680x768xbf16, #tpu.memory_space<vmem>>, vector<680x128xbf16>
      tpu.vector_store %arg10[%swap3A_170, %swap3A_171], %convert_element_type3A_169 {strides = array<i32>} : memref<680x768xbf16, #tpu.memory_space<vmem>>, vector<680x128xbf16>,
      %add3A_173 = arith.constant 512 : i32
      %add3A_174 = vector.broadcast %add3A_173 : i32 to vector<680x128xi32>
      %add3A_175 = arith.addi %add3A_174, %iota3A_96 : vector<680x128xi32>
      %eq3A_176 = arith.cmpi eq, %iota3A_95, %add3A_175 : vector<680x128xi32>
      %jit3A_177 = arith.constant 1.000000e+00 : f32
      %jit3A_178 = arith.constant 0.000000e+00 : f32
      %broadcast_in_dim3A_179 = vector.broadcast %jit3A_177 : f32 to vector<680x128xf32>
      %broadcast_in_dim3A_180 = vector.broadcast %jit3A_178 : f32 to vector<680x128xf32>
      %select_n3A_181 = arith.select %eq3A_176, %broadcast_in_dim3A_179, %broadcast_in_dim3A_180 : vector<680x128xi1>, vector<680x128xf32>
      %add3A_182 = arith.addf %get3A_78, %select_n3A_181 : vector<680x128xf32>
      %mul3A_183 = vector.broadcast %slice3A_94 : vector<680x1xf32> to vector<680x128xf32>
      %mul3A_184 = arith.mulf %mul3A_183, %add3A_182 : vector<680x128xf32>
      %slice3A_185 = vector.extract_strided_slice %select_n3A {offsets = [0, 512], sizes = [1, 128], strides = [1, 1]} : vector<1x768xf32> to vector<1x128xf32>
      %mul3A_186 = vector.broadcast %slice3A_185 : vector<1x128xf32> to vector<680x128xf32>
      %mul3A_187 = arith.mulf %mul3A_184, %mul3A_186 : vector<680x128xf32>
      %convert_element_type3A_188 = arith.truncf %mul3A_187 : vector<680x128xf32> to vector<680x128xbf16>
      %swap3A_189 = arith.constant 0 : index
      %swap3A_190 = arith.constant 512 : index
      %swap3A_191 = vector.load %arg10[%swap3A_189, %swap3A_190] : memref<680x768xbf16, #tpu.memory_space<vmem>>, vector<680x128xbf16>
      tpu.vector_store %arg10[%swap3A_189, %swap3A_190], %convert_element_type3A_188 {strides = array<i32>} : memref<680x768xbf16, #tpu.memory_space<vmem>>, vector<680x128xbf16>,
      %add3A_192 = arith.constant 640 : i32
      %add3A_193 = vector.broadcast %add3A_192 : i32 to vector<680x128xi32>
      %add3A_194 = arith.addi %add3A_193, %iota3A_96 : vector<680x128xi32>
      %eq3A_195 = arith.cmpi eq, %iota3A_95, %add3A_194 : vector<680x128xi32>
      %jit3A_196 = arith.constant 1.000000e+00 : f32
      %jit3A_197 = arith.constant 0.000000e+00 : f32
      %broadcast_in_dim3A_198 = vector.broadcast %jit3A_196 : f32 to vector<680x128xf32>
      %broadcast_in_dim3A_199 = vector.broadcast %jit3A_197 : f32 to vector<680x128xf32>
      %select_n3A_200 = arith.select %eq3A_195, %broadcast_in_dim3A_198, %broadcast_in_dim3A_199 : vector<680x128xi1>, vector<680x128xf32>
      %add3A_201 = arith.addf %get3A_84, %select_n3A_200 : vector<680x128xf32>
      %mul3A_202 = vector.broadcast %slice3A_94 : vector<680x1xf32> to vector<680x128xf32>
      %mul3A_203 = arith.mulf %mul3A_202, %add3A_201 : vector<680x128xf32>
      %slice3A_204 = vector.extract_strided_slice %select_n3A {offsets = [0, 640], sizes = [1, 128], strides = [1, 1]} : vector<1x768xf32> to vector<1x128xf32>
      %mul3A_205 = vector.broadcast %slice3A_204 : vector<1x128xf32> to vector<680x128xf32>
      %mul3A_206 = arith.mulf %mul3A_203, %mul3A_205 : vector<680x128xf32>
      %convert_element_type3A_207 = arith.truncf %mul3A_206 : vector<680x128xf32> to vector<680x128xbf16>
      %swap3A_208 = arith.constant 0 : index
      %swap3A_209 = arith.constant 640 : index
      %swap3A_210 = vector.load %arg10[%swap3A_208, %swap3A_209] : memref<680x768xbf16, #tpu.memory_space<vmem>>, vector<680x128xbf16>
      tpu.vector_store %arg10[%swap3A_208, %swap3A_209], %convert_element_type3A_207 {strides = array<i32>} : memref<680x768xbf16, #tpu.memory_space<vmem>>, vector<680x128xbf16>,
    } else {
    }
    %get3A = arith.constant 0 : index
    %get3A_2 = arith.constant 0 : index
    %get3A_3 = memref.load %arg3[%get3A, %get3A_2] : memref<1x1xf32, #tpu.memory_space<smem>>
    %get3A_4 = arith.constant 0 : index
    %get3A_5 = arith.constant 0 : index
    %get3A_6 = memref.load %arg4[%get3A_4, %get3A_5] : memref<1x1xf32, #tpu.memory_space<smem>>
    %get3A_7 = arith.constant 0 : index
    %get3A_8 = arith.constant 0 : index
    %get3A_9 = memref.load %arg5[%get3A_7, %get3A_8] : memref<1x1xf32, #tpu.memory_space<smem>>
    %get3A_10 = arith.constant 0 : index
    %get3A_11 = arith.constant 0 : index
    %get3A_12 = memref.load %arg6[%get3A_10, %get3A_11] : memref<1x1xf32, #tpu.memory_space<smem>>
    %get3A_13 = arith.constant 0 : index
    %get3A_14 = arith.constant 0 : index
    %get3A_15 = memref.load %arg8[%get3A_13, %get3A_14] : memref<1x1xf32, #tpu.memory_space<smem>>
    %get3A_16 = arith.constant 0 : index
    %get3A_17 = arith.constant 0 : index
    %get3A_18 = vector.load %arg1[%get3A_16, %get3A_17] : memref<1024x676xbf16, #tpu.memory_space<vmem>>, vector<1024x676xbf16>
    %get3A_19 = arith.constant 0 : index
    %get3A_20 = arith.constant 0 : index
    %get3A_21 = vector.load %arg10[%get3A_19, %get3A_20] : memref<680x768xbf16, #tpu.memory_space<vmem>>, vector<676x768xbf16>
    %dot_general3A = arith.constant dense<0.000000e+00> : vector<1024x768xf32>
    %dot_general3A_22 = tpu.matmul %get3A_18, %get3A_21, %dot_general3A {dimension_numbers = #tpu.dot_dimension_numbers<[1], [0], [0], [1], [0, 0, 1, 1], [], []>, transpose_lhs_hint = false} : vector<1024x676xbf16>, vector<676x768xbf16>, vector<1024x768xf32> -> vector<1024x768xf32>
    %mul3A = vector.broadcast %get3A_3 : f32 to vector<1024x768xf32>
    %mul3A_23 = arith.mulf %dot_general3A_22, %mul3A : vector<1024x768xf32>
    %add3A = vector.broadcast %get3A_6 : f32 to vector<1024x768xf32>
    %add3A_24 = arith.addf %mul3A_23, %add3A : vector<1024x768xf32>
    %max3A = arith.constant 0.000000e+00 : f32
    %max3A_25 = vector.broadcast %max3A : f32 to vector<1024x768xf32>
    %max3A_26 = arith.maximumf %add3A_24, %max3A_25 : vector<1024x768xf32>
    %slice3A = vector.extract_strided_slice %max3A_26 {offsets = [0, 0], sizes = [1024, 676], strides = [1, 1]} : vector<1024x768xf32> to vector<1024x676xf32>
    %convert_element_type3A_27 = arith.truncf %slice3A : vector<1024x676xf32> to vector<1024x676xbf16>
    %get3A_28 = arith.constant 0 : index
    %get3A_29 = arith.constant 0 : index
    %get3A_30 = vector.load %arg10[%get3A_28, %get3A_29] : memref<680x768xbf16, #tpu.memory_space<vmem>>, vector<676x768xbf16>
    %dot_general3A_31 = arith.constant dense<0.000000e+00> : vector<1024x768xf32>
    %dot_general3A_32 = tpu.matmul %convert_element_type3A_27, %get3A_30, %dot_general3A_31 {dimension_numbers = #tpu.dot_dimension_numbers<[1], [0], [0], [1], [0, 0, 1, 1], [], []>, transpose_lhs_hint = false} : vector<1024x676xbf16>, vector<676x768xbf16>, vector<1024x768xf32> -> vector<1024x768xf32>
    %mul3A_33 = vector.broadcast %get3A_9 : f32 to vector<1024x768xf32>
    %mul3A_34 = arith.mulf %dot_general3A_32, %mul3A_33 : vector<1024x768xf32>
    %add3A_35 = vector.broadcast %get3A_12 : f32 to vector<1024x768xf32>
    %add3A_36 = arith.addf %mul3A_34, %add3A_35 : vector<1024x768xf32>
    %max3A_37 = arith.constant 0.000000e+00 : f32
    %max3A_38 = vector.broadcast %max3A_37 : f32 to vector<1024x768xf32>
    %max3A_39 = arith.maximumf %add3A_36, %max3A_38 : vector<1024x768xf32>
    %slice3A_40 = vector.extract_strided_slice %max3A_39 {offsets = [0, 0], sizes = [1024, 676], strides = [1, 1]} : vector<1024x768xf32> to vector<1024x676xf32>
    %convert_element_type3A_41 = arith.truncf %slice3A_40 : vector<1024x676xf32> to vector<1024x676xbf16>
    %get3A_42 = arith.constant 0 : index
    %get3A_43 = arith.constant 0 : index
    %get3A_44 = vector.load %arg7[%get3A_42, %get3A_43] : memref<676x1xbf16, #tpu.memory_space<vmem>>, vector<676x1xbf16>
    %dot_general3A_45 = arith.constant dense<0.000000e+00> : vector<1024x1xf32>
    %dot_general3A_46 = tpu.matmul %convert_element_type3A_41, %get3A_44, %dot_general3A_45 {dimension_numbers = #tpu.dot_dimension_numbers<[1], [0], [0], [1], [0, 0, 1, 1], [], []>, transpose_lhs_hint = false} : vector<1024x676xbf16>, vector<676x1xbf16>, vector<1024x1xf32> -> vector<1024x1xf32>
    %add3A_47 = vector.broadcast %get3A_15 : f32 to vector<1024x1xf32>
    %add3A_48 = arith.addf %dot_general3A_46, %add3A_47 : vector<1024x1xf32>
    %max3A_49 = arith.constant 0.000000e+00 : f32
    %max3A_50 = vector.broadcast %max3A_49 : f32 to vector<1024x1xf32>
    %max3A_51 = arith.maximumf %add3A_48, %max3A_50 : vector<1024x1xf32>
    %swap3A = arith.constant 0 : index
    %swap3A_52 = arith.constant 0 : index
    %swap3A_53 = vector.load %arg9[%swap3A, %swap3A_52] : memref<1024x1xf32, #tpu.memory_space<vmem>>, vector<1024x1xf32>
    tpu.vector_store %arg9[%swap3A, %swap3A_52], %max3A_51 {strides = array<i32>} : memref<1024x1xf32, #tpu.memory_space<vmem>>, vector<1024x1xf32>,
    return
  }
  func.func @transform_0(%arg0: i32) -> (i32, i32) {
    %c0_i32 = arith.constant 0 : i32
    %c0_i32_0 = arith.constant 0 : i32
    return %arg0, %c0_i32 : i32, i32
  }
  func.func @transform_1(%arg0: i32) -> (i32, i32) {
    %c0_i32 = arith.constant 0 : i32
    %c0_i32_0 = arith.constant 0 : i32
    %c0_i32_1 = arith.constant 0 : i32
    return %c0_i32, %c0_i32_0 : i32, i32
  }
  func.func @transform_2(%arg0: i32) -> (i32, i32) {
    %c0_i32 = arith.constant 0 : i32
    %c0_i32_0 = arith.constant 0 : i32
    %c0_i32_1 = arith.constant 0 : i32
    return %c0_i32, %c0_i32_0 : i32, i32
  }
  func.func @transform_3(%arg0: i32) -> (i32, i32) {
    %c0_i32 = arith.constant 0 : i32
    %c0_i32_0 = arith.constant 0 : i32
    %c0_i32_1 = arith.constant 0 : i32
    return %c0_i32, %c0_i32_0 : i32, i32
  }
  func.func @transform_4(%arg0: i32) -> (i32, i32) {
    %c0_i32 = arith.constant 0 : i32
    %c0_i32_0 = arith.constant 0 : i32
    %c0_i32_1 = arith.constant 0 : i32
    return %c0_i32, %c0_i32_0 : i32, i32
  }
  func.func @transform_5(%arg0: i32) -> (i32, i32) {
    %c0_i32 = arith.constant 0 : i32
    %c0_i32_0 = arith.constant 0 : i32
    %c0_i32_1 = arith.constant 0 : i32
    return %c0_i32, %c0_i32_0 : i32, i32
  }
  func.func @transform_6(%arg0: i32) -> (i32, i32) {
    %c0_i32 = arith.constant 0 : i32
    %c0_i32_0 = arith.constant 0 : i32
    %c0_i32_1 = arith.constant 0 : i32
    return %c0_i32, %c0_i32_0 : i32, i32
  }
  func.func @transform_7(%arg0: i32) -> (i32, i32) {
    %c0_i32 = arith.constant 0 : i32
    %c0_i32_0 = arith.constant 0 : i32
    %c0_i32_1 = arith.constant 0 : i32
    return %c0_i32, %c0_i32_0 : i32, i32
  }
  func.func @transform_8(%arg0: i32) -> (i32, i32) {
    %c0_i32 = arith.constant 0 : i32
    %c0_i32_0 = arith.constant 0 : i32
    return %arg0, %c0_i32 : i32, i32
  }
}

</mosaic_0001>

<sc_bundles>
// kernel: kernel.4.cloned.1.call-start
scs
__scs_entry_jumppad:
0x0: {  	(pc) =	sbr.rel $0x88, $3  }
0x1: {  	(tag) =	ssettag $0x0;
	lr =	simm.s32 $0x1  }
0x2: {  	[smem:$0x3F98] =	sst lr;
	_ =	strace $0xD0000000  }
0x3: {  	_ = 	snop  }
0x4: {  	_ = 	snop  }
0x5: {  	_ = 	snop  }
0x6: {  	_ = 	snop  }
0x7: {  	_ = 	snop  }
__scs_overlays_trampoline_lowered:
0x8: {  	[smem:$0x3FA7] =	sst s0  }
0x9: {  	[smem:$0x3FA8] =	sst s1  }
0xa: {  	[smem:$0x3FA9] =	sst s2  }
0xb: {  	[smem:$0x3FAA] =	sst s3  }
0xc: {  	[smem:$0x3FAB] =	sst s4  }
0xd: {  	[smem:$0x3FAC] =	sst s5  }
0xe: {  	[smem:$0x3FAD] =	sst s6  }
0xf: {  	[smem:$0x3FAE] =	sst s7  }
0x10: {  	[smem:$0x3FAF] =	sst s8  }
0x11: {  	[smem:$0x3FB0] =	sst s9;
	s0 =	simm.s32 @!p0 $0x0  }
0x12: {  	s1 =	sld [smem:$0x3F96];
	s0 =	simm.s32 @p0 $0x1  }
0x13: {  	[smem:$0x3FB1] =	sst s0;
	s0 =	simm.s32 @!p1 $0x0  }
0x14: {  	s2 =	sld [smem:$0x3F95];
	s0 =	simm.s32 @p1 $0x1  }
0x15: {  	[smem:$0x3FB2] =	sst s0;
	s0 =	simm.s32 @!p2 $0x0  }
0x16: {  	s3 =	sld [smem:$0x3FDB];
	s0 =	simm.s32 @p2 $0x1  }
0x17: {  	s4 =	simm.s32 $0x1BF5;
	[smem:$0x3FB4] =	sst s0  }
0x18: {  	s0 =	sld [smem:$0x3F97];
	_ =	swait.ge [sflag:s4], $0x0  }
0x19: {  	s7 =	sld [smem:$0x3F98]  }
0x1a: {  	s8 =	sadd.s32 $0xFFFFE003, lr  }
0x1b: {  	s9 =	sadd.s32 $0xFFFFFEF7, lr;
	s5 =	simm.s32 $0xFFFFFFFF;
	p2 =	slt.u32 s8, $0xFFFFF086  }
0x1c: {  	p1 =	slt.u32 s9, $0xF7A;
	s5 =	simm.s32 @!p2 $0x0  }
0x1d: {  	s5 =	simm.s32 @p1 $0x1;
	p0 =	seq.s32 s7, s2  }
0x1e: {  	s7 =	smul.u32 @!p0 $0xF7A, s2;
	p2 =	seq.s32 @!p0 s5, $0x0  }
0x1f: {  	s9 =	smul.u32 $0xF7A, s1;
	s8 =	simm.s32 @!p0 $0x1BF5;
	p2 =	por !p2, p0  }
0x20: {  	[sflag:s8] =	ssyncset.s32 @!p0 $0xFFFFF086;
	s6 =	sadd.s32 @!p0 s3, s7;
	s7 =	simm.s32 @!p0 $0x108  }
0x21: {  	s3 =	sadd.s32 s3, s9;
	s6 =	sadd.s32 @!p0 $0x88, s6;
	s7 =	simm.s32 @p2 $0x1082  }
0x22: {  	[simem:s7], [sflag:s8] =	dma.local @!p0 [hbm:s6], $0xF7A  }
0x23: {  	s9 =	sor.u32 $0xD0000000, s2;
	s6 =	simm.s32 $0x108;
	_ =	swait.ge @!p0 [sflag:s8], $0x0  }
0x24: {  	s3 =	sadd.s32 $0x88, s3;
	s6 =	simm.s32 @!p1 $0x1082;
	[sflag:s4] =	ssyncset.s32 $0xFFFFF086  }
0x25: {  	[simem:s6], [sflag:s4] =	dma.local [hbm:s3], $0xF7A  }
0x26: {  	[smem:$0x3F98] =	sst s1;
	(tag) =	ssettag s2;
	_ =	strace s9  }
0x27: {  	s1 =	sld [smem:$0x3FA8]  }
0x28: {  	s2 =	sld [smem:$0x3FA9]  }
0x29: {  	s4 =	sld [smem:$0x3FAB]  }
0x2a: {  	p0 =	seq.s32 s5, $0x0;
	s5 =	sld [smem:$0x3FAC]  }
0x2b: {  	s6 =	sld [smem:$0x3FAD]  }
0x2c: {  	s7 =	sld [smem:$0x3FAE]  }
0x2d: {  	s3 =	simm.s32 $0x108;
	s8 =	sld [smem:$0x3FAF]  }
0x2e: {  	s3 =	simm.s32 @!p0 $0x1082;
	s9 =	sld [smem:$0x3FB0]  }
0x2f: {  	lr =	sadd.s32 s0, s3;
	s0 =	sld [smem:$0x3FA7]  }
0x30: {  	s3 =	sld [smem:$0x3FAA]  }
0x31: {  	[smem:$0x3FB3] =	sst s10  }
0x32: {  	s10 =	sld [smem:$0x3FB1];
	_ =	sdelay $0x3  }
0x33: {  	p0 =	seq.s32 s10, $0x1;
	s10 =	sld [smem:$0x3FB3];
	_ =	sdelay $0x3  }
0x34: {  	[smem:$0x3FB3] =	sst s10  }
0x35: {  	s10 =	sld [smem:$0x3FB2];
	_ =	sdelay $0x3  }
0x36: {  	p1 =	seq.s32 s10, $0x1;
	s10 =	sld [smem:$0x3FB3];
	_ =	sdelay $0x3  }
0x37: {  	[smem:$0x3FB3] =	sst s10  }
0x38: {  	s10 =	sld [smem:$0x3FB4]  }
0x39: {  	_ = 	snop;
	(pc) =	sbr.ind lr, $3  }
0x3a: {  	_ = 	snop  }
0x3b: {  	_ = 	snop  }
0x3c: {  	p2 =	seq.s32 s10, $0x1;
	s10 =	sld [smem:$0x3FB3]  }
0x3d: {  	_ =	shalt  }
0x3e: {  	_ =	shalt  }
0x3f: {  	_ =	shalt  }
0x40: {  	_ =	shalt  }
0x41: {  	_ =	shalt  }
0x42: {  	_ =	shalt  }
0x43: {  	_ =	shalt  }
0x44: {  	_ =	shalt  }
0x45: {  	_ =	shalt  }
0x46: {  	_ =	shalt  }
0x47: {  	_ =	shalt  }
0x48: {  	_ =	shalt  }
0x49: {  	_ =	shalt  }
0x4a: {  	_ =	shalt  }
0x4b: {  	_ =	shalt  }
0x4c: {  	_ =	shalt  }
0x4d: {  	_ =	shalt  }
0x4e: {  	_ =	shalt  }
0x4f: {  	_ =	shalt  }
0x50: {  	_ =	shalt  }
0x51: {  	_ =	shalt  }
0x52: {  	_ =	shalt  }
0x53: {  	_ =	shalt  }
0x54: {  	_ =	shalt  }
0x55: {  	_ =	shalt  }
0x56: {  	_ =	shalt  }
0x57: {  	_ =	shalt  }
0x58: {  	_ =	shalt  }
0x59: {  	_ =	shalt  }
0x5a: {  	_ =	shalt  }
0x5b: {  	_ =	shalt  }
0x5c: {  	_ =	shalt  }
0x5d: {  	_ =	shalt  }
0x5e: {  	_ =	shalt  }
0x5f: {  	_ =	shalt  }
0x60: {  	_ =	shalt  }
0x61: {  	_ =	shalt  }
0x62: {  	_ =	shalt  }
0x63: {  	_ =	shalt  }
0x64: {  	_ =	shalt  }
0x65: {  	_ =	shalt  }
0x66: {  	_ =	shalt  }
0x67: {  	_ =	shalt  }
0x68: {  	_ =	shalt  }
0x69: {  	_ =	shalt  }
0x6a: {  	_ =	shalt  }
0x6b: {  	_ =	shalt  }
0x6c: {  	_ =	shalt  }
0x6d: {  	_ =	shalt  }
0x6e: {  	_ =	shalt  }
0x6f: {  	_ =	shalt  }
0x70: {  	_ =	shalt  }
0x71: {  	_ =	shalt  }
0x72: {  	_ =	shalt  }
0x73: {  	_ =	shalt  }
0x74: {  	_ =	shalt  }
0x75: {  	_ =	shalt  }
0x76: {  	_ =	shalt  }
0x77: {  	_ =	shalt  }
0x78: {  	_ =	shalt  }
0x79: {  	_ =	shalt  }
0x7a: {  	_ =	shalt  }
0x7b: {  	_ =	shalt  }
0x7c: {  	_ =	shalt  }
0x7d: {  	_ =	shalt  }
0x7e: {  	_ =	shalt  }
0x7f: {  	_ =	shalt  }
0x80: {  	_ =	shalt  }
0x81: {  	_ =	shalt  }
0x82: {  	_ =	shalt  }
0x83: {  	_ =	shalt  }
0x84: {  	_ =	shalt  }
0x85: {  	_ =	shalt  }
0x86: {  	_ =	shalt  }
0x87: {  	_ =	shalt  }
.Lfunc_end0:
.L_simem_size_0:
called_computation_lowered:
.L_overlay_start_0:
0x88: {  	s2 =	sld [smem:$0x3FD9]  }
0x89: {  	s3 =	sld [smem:$0x3FFE];
	_ =	sdelay $0x1  }
0x8a: {  	s1 =	srdreg.scid  }
0x8b: {  	s0 =	sand.u32 $0x1, s1  }
0x8c: {  	s17 =	sshll.u32 s0, $0xA;
	s2 =	sadd.s32 s3, s2  }
0x8d: {  	s2 =	sadd.s32 s2, s17  }
0x8e: {  	[smem:$0x3FBF] =	sst s2  }
0x8f: {  	_ = 	snop  }
0x90: {  	s2 =	sld [smem:$0x3FC7];
	(tm) =	ssettm $0x1  }
0x91: {  	s18 =	sld [smem:$0x3FFB];
	_ =	sdelay $0x3  }
0x92: {  	_ =	strace s18  }
0x93: {  	s3 =	sld [smem:$0x3FFC];
	_ =	sdelay $0x3  }
0x94: {  	_ =	strace s3  }
0x95: {  	s3 =	sld [smem:$0x3FFD];
	_ =	sdelay $0x3  }
0x96: {  	_ =	strace s3  }
0x97: {  	_ =	strace $0x8FFFFFFF  }
0x98: {  	s19 =	sld [smem:$0x3FDB];
	_ =	sdelay $0x1  }
0x99: {  	s4 =	simm.s32 $_scs_section_size  }
0x9a: {  	s5 =	simm.s32 $_size__tile_overlayer_lowered;
	s6 =	simm.s32 $_tile_overlayer_lowered  }
0x9b: {  	s22 =	simm.s32 $0x1BFF;
	s21 =	sshll.u32 s6, $0x1;
	s3 =	sadd.s32 s4, s19  }
0x9c: {  	s7 =	simm.s32 $0x0;
	s20 =	sshll.u32 s5, $0x1;
	s5 =	sadd.s32 s21, s3  }
0x9d: {  	[timem:s7], [sflag:s22] =	dma.local [hbm:s5], s20  }
0x9e: {  	_ =	swait.ge [sflag:s22], s20  }
0x9f: {  	s4 =	ssub.s32 $0x0, s20;
	[sflag:s22] =	ssyncset.done $0x0  }
0xa0: {  	[sflag:s22] =	ssyncadd.s32 s4;
	_ =	sdelay $0x1  }
0xa1: {  	s23 =	simm.s32 $0x1B8B  }
0xa2: {  	_ =	swait.ge [sflag:s23], $0x1  }
0xa3: {  	[sflag:s23] =	ssyncset.done $0x0  }
0xa4: {  	s25 =	simm.s32 $0x1B8E;
	s24 =	sld [smem:$0x3FFE];
	[sflag:s23] =	ssyncadd.s32 $0xFFFFFFFF  }
0xa5: {  	s26 =	simm.s32 $execute0_lowered;
	[smem:$0x3FD2] =	sst s25  }
0xa6: {  	s5 =	sshll.u32 s26, $0x1;
	_ =	strace $0x80000046;
	[dreg:$0x1] =	wrdreg $0xFFFFFFFF  }
0xa7: {  	s28 =	simm.s32 $_size_execute0_lowered;
	s3 =	sadd.s32 s3, s5;
	[dreg:$0x0] =	wrdreg $0x0  }
0xa8: {  	s5 =	sshll.u32 s28, $0x1;
	[dreg:$0x2] =	wrdreg s3  }
0xa9: {  	[dreg:$0x3] =	wrdreg s5  }
0xaa: {  	[dreg:$0x4] =	wrdreg $0xC0  }
0xab: {  	_ =	task [dreg:s7], $0x5FFFF  }
0xac: {  	[dreg:$0x1] =	wrdreg $0xFFFFFFFF  }
0xad: {  	[dreg:$0x0] =	wrdreg $0x60  }
0xae: {  	[dreg:$0x2] =	wrdreg s24  }
0xaf: {  	[dreg:$0x3] =	wrdreg s2  }
0xb0: {  	[dreg:$0x4] =	wrdreg $0x48000  }
0xb1: {  	[dreg:$0x5] =	wrdreg $0x9  }
0xb2: {  	_ =	task.clear_ibuf [dreg:s7], $0x6FFFF;
	_ =	strace $0x90000046  }
0xb3: {  	s29 =	simm.s32 $0x9;
	_ =	strace $0x80000048  }
0xb4: {  	_ =	swait.ge [sflag:s29], $0x1  }
0xb5: {  	[sflag:s29] =	ssyncadd.s32 $0xFFFFFFFF  }
0xb6: {  	_ =	strace $0x90000048  }
0xb7: {  	_ =	sfence  }
0xb8: {  	s30 =	sld [smem:$0x0];
	_ =	sdelay $0x2  }
0xb9: {  	s31 =	sshll.u32 s1, $0xD;
	s1 =	sshrl.u32 s1, $0x2  }
0xba: {  	s3 =	sand.u32 $0x4000, s31;
	s1 =	sadd.s32 s1, s30  }
0xbb: {  	s0 =	sor.u32 s3, s0;
	s1 =	sshll.u32 s1, $0x11  }
0xbc: {  	s0 =	sor.u32 s1, s0  }
0xbd: {  	s0 =	sadd.s32 $0x8F2B, s0  }
0xbe: {  	[sflag:s0] =	ssyncadd.remote.s32 $0x1  }
0xbf: {  	_ =	sfence.sel $0xFFFF  }
0xc0: {  	[dreg:$0x0] =	wrdreg $0xFFFFFFFF;
	(pc) =	sbr.abs _section_cstart, $3  }
0xc1: {  	[dreg:$0x1] =	wrdreg $0xFFFFFFFF  }
0xc2: {  	_ =	task.clear_ibuf [dreg:s7], $0x2FFFF;
	_ =	strace $0x9FFFFFFF  }
0xc3: {  	(tm) =	ssettm $0x7FFFFFFF  }
tec
execute0_lowered:
.L_overlay_start_1:
0x0: {  	(tag) =	ssettag $0x1  }
0x1: {  	s5 =	rddreg [dreg:$0x0]  }
0x2: {  	s6 =	rddreg [dreg:$0x1]  }
0x3: {  	s2 =	rddreg [dreg:$0x2]  }
0x4: {  	s0 =	rddreg [dreg:$0x3]  }
0x5: {  	s1 =	stileid.u32;
	s4 =	srdreg.scid;
	s3 =	simm.s32 $0x0  }
0x6: {  	s15 =	simm.s32 $0x200;
	s16 =	simm.s32 $0x400;
	s18 =	simm.s32 $0x500  }
0x7: {  	s19 =	simm.s32 $0x580;
	s20 =	simm.s32 $0x800;
	s21 =	simm.s32 $0x80  }
0x8: {  	s22 =	simm.s32 $0x600;
	s23 =	simm.s32 $0x680;
	s24 =	simm.s32 $0x700  }
0x9: {  	s25 =	simm.s32 $0x780;
	s12 =	sand.u32 $0x1, s4;
	s11 =	smul.u32 $0x3FC0, s1  }
0xa: {  	[smem:$0x7FF] =	sst s3;
	s7 =	sshll.u32 s1, $0x6;
	s4 =	smul.u32 $0x3FC00, s12  }
0xb: {  	_ =	strace $0x80000047;
	s8 =	sadd.s32 s7, s5;
	s10 =	ssub.s32 $0x2, s12  }
0xc: {  	s17 =	smul.u32 $0x3, s12;
	s13 =	sshrl.u32 s10, $0x1;
	s9 =	sadd.s32 s11, s4  }
0xd: {  	s4 =	sadd.s32 $0x1200, s5;
	s13 =	ssub.s32 s10, s13;
	s11 =	sadd.s32 s11, s2  }
0xe: {  	v8 =	vlaneseq.u32;
	v0 =	vmov s17;
	s17 =	simm.s32 $0x480;
	s9 =	sshrl.u32 s9, $0x3;
	s13 =	smax.u32 s13, $0x1  }
0xf: {  	v1 =	vor.u32 $0x3FC00, v8;
	v2 =	vor.u32 $0x3FC10, v8;
	s14 =	sadd.s32 s9, s5;
	s5 =	sadd.s32 s6, s7;
	s6 =	sadd.s32 $0xE00, s8  }
0x10: {  	v3 =	vor.u32 $0x3FC20, v8;
	v4 =	vor.u32 $0x3FC30, v8;
	v5 =	vor.u32 $0x3FC40, v8;
	s7 =	sadd.s32 $0xA00, s8;
	s8 =	sadd.s32 $0x10, s5;
	s9 =	sadd.s32 $0x20, s5  }
0x11: {  	v6 =	vor.u32 $0x3FC50, v8;
	v7 =	vor.u32 $0x3FC60, v8;
	v8 =	vor.u32 $0x3FC70, v8;
	s10 =	sadd.s32 $0x30, s5;
	s12 =	sadd.s32 $0x1A00, s14;
	s14 =	simm.s32 $0x1  }
.LBB2_1:
0x12: {  	[tilespmem:s3], [sflag:$0x1] =	stream.linear.gather [hbm4b:s6+s3], $0x200, $0x38;
	[tilespmem:$0x87C8] =	vst v63  }
0x13: {  	_ =	swait.ge [sflag:s14], $0x200  }
0x14: {  	[sflag:s14] =	ssyncset.done $0x0  }
0x15: {  	[sflag:s14] =	ssyncadd.s32 $0xFFFFFE00  }
0x16: {  	[tilespmem:s15], [sflag:$0x1] =	stream.linear.gather [hbm4b:s7+s3], $0x200, $0x38;
	[tilespmem:$0x87C8] =	vst v63  }
0x17: {  	_ =	swait.ge [sflag:s14], $0x200  }
0x18: {  	[sflag:s14] =	ssyncset.done $0x0  }
0x19: {  	[sflag:s14] =	ssyncadd.s32 $0xFFFFFE00  }
0x1a: {  	[tilespmem:s16], [sflag:$0x1] =	stream.linear.gather [hbm4b:s5+s3], $0x80, $0x38;
	[tilespmem:$0x87C8] =	vst v63  }
0x1b: {  	_ =	swait.ge [sflag:s14], $0x80  }
0x1c: {  	[sflag:s14] =	ssyncset.done $0x0  }
0x1d: {  	[sflag:s14] =	ssyncadd.s32 $0xFFFFFF80  }
0x1e: {  	[tilespmem:s17], [sflag:$0x1] =	stream.linear.gather [hbm4b:s8+s3], $0x80, $0x38;
	[tilespmem:$0x87C8] =	vst v63  }
0x1f: {  	_ =	swait.ge [sflag:s14], $0x80  }
0x20: {  	[sflag:s14] =	ssyncset.done $0x0  }
0x21: {  	[sflag:s14] =	ssyncadd.s32 $0xFFFFFF80  }
0x22: {  	[tilespmem:s18], [sflag:$0x1] =	stream.linear.gather [hbm4b:s9+s3], $0x80, $0x38;
	[tilespmem:$0x87C8] =	vst v63  }
0x23: {  	_ =	swait.ge [sflag:s14], $0x80  }
0x24: {  	[sflag:s14] =	ssyncset.done $0x0  }
0x25: {  	[sflag:s14] =	ssyncadd.s32 $0xFFFFFF80  }
0x26: {  	[tilespmem:s19], [sflag:$0x1] =	stream.linear.gather [hbm4b:s10+s3], $0x80, $0x38;
	[tilespmem:$0x87C8] =	vst v63  }
0x27: {  	_ =	swait.ge [sflag:s14], $0x80  }
0x28: {  	[sflag:s14] =	ssyncset.done $0x0  }
0x29: {  	[sflag:s14] =	ssyncadd.s32 $0xFFFFFF80  }
0x2a: {  	[tilespmem:s20], [sflag:$0x1] =	stream.linear.gather [hbm4b:s4+s3], $0x4000, $0x38;
	[tilespmem:$0x87C8] =	vst v63  }
0x2b: {  	_ =	swait.ge [sflag:s14], $0x4000  }
0x2c: {  	[sflag:s14] =	ssyncset.done $0x0  }
0x2d: {  	[sflag:s14] =	ssyncadd.s32 $0xFFFFC000  }
0x2e: {  	[spmem:s11] =	stream.linear.scatter [tilespmem:s20], [sflag:$0x1], $0x3FC0, $0x38;
	[tilespmem:$0x87C8] =	vst v63  }
0x2f: {  	_ =	swait.ge [sflag:s14], $0x3FC0  }
0x30: {  	[sflag:s14] =	ssyncset.done $0x0  }
0x31: {  	[sflag:s14] =	ssyncadd.s32 $0xFFFFC040  }
0x32: {  	v9 =	vld [tilespmem:$0x200]  }
0x33: {  	v10 =	vld [tilespmem:$0x0]  }
0x34: {  	v11 =	vld [tilespmem:$0x210]  }
0x35: {  	v13 =	vld [tilespmem:$0x10]  }
0x36: {  	v14 =	vld [tilespmem:$0x220]  }
0x37: {  	v17 =	vld [tilespmem:$0x20]  }
0x38: {  	v25 =	vld [tilespmem:$0x230]  }
0x39: {  	v18 =	vld [tilespmem:$0x30]  }
0x3a: {  	v29 =	vld [tilespmem:$0x240]  }
0x3b: {  	v19 =	vld [tilespmem:$0x40]  }
0x3c: {  	v33 =	vld [tilespmem:$0x250]  }
0x3d: {  	v20 =	vld [tilespmem:$0x50]  }
0x3e: {  	v39 =	vld [tilespmem:$0x260]  }
0x3f: {  	v21 =	vld [tilespmem:$0x60]  }
0x40: {  	v44 =	vld [tilespmem:$0x270];
	v12 =	vshra.s32 v9, $0x7;
	v10 =	vshll.u32 v10, $0x7  }
0x41: {  	v22 =	vld [tilespmem:$0x70];
	v16 =	vshra.s32 v11, $0x7;
	v9 =	vand.u32 $0x7F, v9;
	v26 =	vshll.u32 v13, $0x7  }
0x42: {  	v50 =	vld [tilespmem:$0x280];
	v27 =	vshra.s32 v14, $0x7;
	v11 =	vand.u32 $0x7F, v11;
	v30 =	vshll.u32 v17, $0x7  }
0x43: {  	v56 =	vld [tilespmem:$0x290];
	v31 =	vshra.s32 v25, $0x7;
	v14 =	vand.u32 $0x7F, v14;
	v35 =	vshll.u32 v18, $0x7  }
0x44: {  	v36 =	vshra.s32 v29, $0x7;
	v37 =	vand.u32 $0x7F, v25;
	v41 =	vshll.u32 v19, $0x7  }
0x45: {  	v42 =	vshra.s32 v33, $0x7;
	v13 =	vand.u32 $0x7F, v29;
	v46 =	vshll.u32 v20, $0x7  }
0x46: {  	v47 =	vshra.s32 v39, $0x7;
	v48 =	vand.u32 $0x7F, v33;
	v52 =	vshll.u32 v21, $0x7  }
0x47: {  	v62 =	vld [tilespmem:$0x2A0];
	v53 =	vshra.s32 v44, $0x7;
	v54 =	vand.u32 $0x7F, v39;
	v58 =	vshll.u32 v22, $0x7  }
0x48: {  	v59 =	vshra.s32 v50, $0x7;
	v60 =	vand.u32 $0x7F, v44;
	v29 =	vshra.s32 v56, $0x7  }
0x49: {  	v12 =	vsub.s32 v12, v0;
	v24 =	vsub.s32 v16, v0;
	v28 =	vsub.s32 v27, v0  }
0x4a: {  	v32 =	vsub.s32 v31, v0;
	v38 =	vsub.s32 v36, v0;
	v43 =	vsub.s32 v42, v0  }
0x4b: {  	v49 =	vsub.s32 v47, v0;
	v55 =	vsub.s32 v53, v0;
	v61 =	vsub.s32 v59, v0  }
0x4c: {  	v31 =	vsub.s32 v29, v0;
	v36 =	vand.u32 $0x7F, v56;
	v42 =	vand.u32 $0x7F, v62  }
0x4d: {  	v15 =	vmul.u32 $0x15400, v12;
	vm0 =	vlt.u32 v12, $0x3;
	vm9 =	vlt.u32 v24, $0x3  }
0x4e: {  	vm10 =	vlt.u32 v28, $0x3;
	v34 =	vmul.u32 $0x15400, v32;
	vm11 =	vlt.u32 v32, $0x3  }
0x4f: {  	v40 =	vmul.u32 $0x15400, v38;
	vm12 =	vlt.u32 v38, $0x3;
	v45 =	vmul.u32 $0x15400, v43  }
0x50: {  	vm13 =	vlt.u32 v43, $0x3;
	v51 =	vmul.u32 $0x15400, v49;
	vm14 =	vlt.u32 v49, $0x3  }
0x51: {  	v44 =	vld [tilespmem:$0x2D0];
	v57 =	vmul.u32 $0x15400, v55;
	vm15 =	vlt.u32 v55, $0x3;
	v63 =	vmul.u32 $0x15400, v61  }
0x52: {  	vm4 =	vlt.u32 v61, $0x3;
	v33 =	vmul.u32 $0x15400, v31;
	vm5 =	vlt.u32 v31, $0x3  }
0x53: {  	v10 =	vadd.s32 v10, v15;
	v12 =	vadd.s32 v35, v34;
	v15 =	vadd.s32 v52, v51  }
0x54: {  	v27 =	vld [tilespmem:$0xC0];
	v16 =	vadd.s32 v58, v57;
	v35 =	vshra.s32 v62, $0x7;
	v9 =	vor.u32 v9, v10  }
0x55: {  	v38 =	vld [tilespmem:$0x2C0];
	v10 =	vmul.u32 $0x15400, v24;
	v12 =	vor.u32 v37, v12;
	v15 =	vor.u32 v54, v15  }
0x56: {  	v23 =	vld [tilespmem:$0x80];
	v16 =	vor.u32 v60, v16;
	v37 =	vsub.s32 v35, v0;
	v53 =	vshra.s32 v44, $0x7  }
0x57: {  	v25 =	vld [tilespmem:$0xA0];
	v60 =	vand.u32 $0x7F, v44;
	v9 =	vsel vm0, v9, v1;
	v12 =	vsel vm11, v12, v4  }
0x58: {  	v29 =	vld [tilespmem:$0xE0];
	v15 =	vsel vm14, v15, v7;
	v16 =	vsel vm15, v16, v8;
	v39 =	vmul.u32 $0x15400, v37  }
0x59: {  	v62 =	vld [tilespmem:$0x300];
	vm6 =	vlt.u32 v37, $0x3;
	v52 =	vshll.u32 v27, $0x7;
	v55 =	vsub.s32 v53, v0  }
0x5a: {  	v24 =	vld [tilespmem:$0x90];
	v10 =	vadd.s32 v26, v10;
	v47 =	vshra.s32 v38, $0x7;
	v54 =	vand.u32 $0x7F, v38  }
0x5b: {  	v56 =	vld [tilespmem:$0x2F0];
	v57 =	vmul.u32 $0x15400, v55;
	v10 =	vor.u32 v11, v10;
	v11 =	vmul.u32 $0x15400, v28  }
0x5c: {  	v32 =	vld [tilespmem:$0x2B0];
	v28 =	vshll.u32 v23, $0x7;
	v49 =	vsub.s32 v47, v0;
	v10 =	vsel vm9, v10, v2  }
0x5d: {  	v37 =	vld [tilespmem:$0x310];
	v17 =	vadd.s32 v28, v63;
	v51 =	vmul.u32 $0x15400, v49;
	vm8 =	vlt.u32 v49, $0x3  }
0x5e: {  	vm9 =	vlt.u32 v55, $0x3;
	v47 =	vand.u32 $0x7F, v62;
	v11 =	vadd.s32 v30, v11  }
0x5f: {  	v30 =	vand.u32 $0x7F, v50;
	v34 =	vshll.u32 v24, $0x7;
	v11 =	vor.u32 v14, v11  }
0x60: {  	v26 =	vld [tilespmem:$0xB0];
	v14 =	vadd.s32 v41, v40;
	v17 =	vor.u32 v30, v17;
	v18 =	vadd.s32 v34, v33  }
0x61: {  	v40 =	vshll.u32 v25, $0x7;
	v41 =	vshra.s32 v32, $0x7;
	v21 =	vadd.s32 v52, v51  }
0x62: {  	v33 =	vshll.u32 v29, $0x7;
	v34 =	vshra.s32 v56, $0x7;
	v53 =	vand.u32 $0x7F, v37  }
0x63: {  	v11 =	vsel vm10, v11, v3;
	v13 =	vor.u32 v13, v14;
	v14 =	vadd.s32 v46, v45  }
0x64: {  	v17 =	vsel vm4, v17, v1;
	v18 =	vor.u32 v36, v18;
	v19 =	vadd.s32 v40, v39  }
0x65: {  	v43 =	vsub.s32 v41, v0;
	v46 =	vshll.u32 v26, $0x7;
	v21 =	vor.u32 v54, v21  }
0x66: {  	v28 =	vld [tilespmem:$0xD0];
	v36 =	vsub.s32 v34, v0;
	v40 =	vshra.s32 v62, $0x7;
	v41 =	vand.u32 $0x7F, v56  }
0x67: {  	v50 =	vld [tilespmem:$0x2E0];
	v13 =	vsel vm12, v13, v5;
	v14 =	vor.u32 v48, v14;
	v18 =	vsel vm5, v18, v2  }
0x68: {  	v31 =	vld [tilespmem:$0x100];
	v19 =	vor.u32 v42, v19;
	v45 =	vmul.u32 $0x15400, v43;
	v48 =	vand.u32 $0x7F, v32  }
0x69: {  	v49 =	vld [tilespmem:$0x330];
	vm7 =	vlt.u32 v43, $0x3;
	v21 =	vsel vm8, v21, v5;
	v38 =	vmul.u32 $0x15400, v36  }
0x6a: {  	v42 =	vsub.s32 v40, v0;
	vm11 =	vlt.u32 v36, $0x3;
	v14 =	vsel vm13, v14, v6  }
0x6b: {  	v30 =	vld [tilespmem:$0xF0];
	v19 =	vsel vm6, v19, v3;
	v58 =	vshll.u32 v28, $0x7;
	v44 =	vmul.u32 $0x15400, v42  }
0x6c: {  	vm12 =	vlt.u32 v42, $0x3;
	v20 =	vadd.s32 v46, v45;
	v59 =	vshra.s32 v50, $0x7  }
0x6d: {  	v55 =	vld [tilespmem:$0x340];
	v22 =	vadd.s32 v58, v57;
	v35 =	vand.u32 $0x7F, v50;
	v45 =	vshll.u32 v31, $0x7  }
0x6e: {  	v34 =	vld [tilespmem:$0x130];
	v46 =	vshra.s32 v37, $0x7;
	v58 =	vshra.s32 v49, $0x7;
	v31 =	vand.u32 $0x7F, v49  }
0x6f: {  	v32 =	vld [tilespmem:$0x110];
	v20 =	vor.u32 v48, v20;
	v61 =	vsub.s32 v59, v0;
	v22 =	vor.u32 v60, v22  }
0x70: {  	v43 =	vld [tilespmem:$0x320];
	v39 =	vshll.u32 v30, $0x7;
	v25 =	vadd.s32 v45, v44;
	v48 =	vsub.s32 v46, v0  }
0x71: {  	v36 =	vld [tilespmem:$0x360];
	v60 =	vsub.s32 v58, v0;
	v20 =	vsel vm7, v20, v4;
	v63 =	vmul.u32 $0x15400, v61  }
0x72: {  	v42 =	vld [tilespmem:$0x160];
	v22 =	vsel vm9, v22, v6;
	vm10 =	vlt.u32 v61, $0x3;
	v24 =	vadd.s32 v39, v38  }
0x73: {  	v49 =	vld [tilespmem:$0x380];
	v25 =	vor.u32 v47, v25;
	v50 =	vmul.u32 $0x15400, v48;
	vm13 =	vlt.u32 v48, $0x3  }
0x74: {  	v44 =	vld [tilespmem:$0x370];
	v62 =	vmul.u32 $0x15400, v60;
	v34 =	vshll.u32 v34, $0x7;
	vm15 =	vlt.u32 v60, $0x3  }
0x75: {  	v61 =	vld [tilespmem:$0x140];
	v24 =	vor.u32 v41, v24;
	v25 =	vsel vm12, v25, v1;
	v51 =	vshll.u32 v32, $0x7  }
0x76: {  	v38 =	vld [tilespmem:$0x170];
	v52 =	vshra.s32 v43, $0x7;
	v59 =	vand.u32 $0x7F, v43;
	v32 =	vand.u32 $0x7F, v55  }
0x77: {  	[tilespmem:$0x620] =	vst v11;
	v41 =	vld [tilespmem:$0x150];
	v46 =	vshra.s32 v36, $0x7;
	v11 =	vand.u32 $0x7F, v36;
	v23 =	vadd.s32 v33, v63  }
0x78: {  	v36 =	vld [tilespmem:$0x3C0];
	v24 =	vsel vm11, v24, v8;
	v26 =	vadd.s32 v51, v50;
	v54 =	vsub.s32 v52, v0  }
0x79: {  	v33 =	vld [tilespmem:$0x120];
	v28 =	vadd.s32 v34, v62;
	v48 =	vshll.u32 v42, $0x7;
	v23 =	vor.u32 v35, v23  }
0x7a: {  	v63 =	vld [tilespmem:$0x350];
	v26 =	vor.u32 v53, v26;
	v56 =	vmul.u32 $0x15400, v54;
	vm14 =	vlt.u32 v54, $0x3  }
0x7b: {  	v52 =	vld [tilespmem:$0x180];
	v35 =	vshra.s32 v55, $0x7;
	v28 =	vor.u32 v31, v28;
	v23 =	vsel vm10, v23, v7  }
0x7c: {  	v34 =	vld [tilespmem:$0x3B0];
	v26 =	vsel vm13, v26, v2;
	v39 =	vsub.s32 v35, v0;
	v28 =	vsel vm15, v28, v4  }
0x7d: {  	v50 =	vshra.s32 v44, $0x7;
	v55 =	vand.u32 $0x7F, v44;
	v40 =	vmul.u32 $0x15400, v39  }
0x7e: {  	v62 =	vld [tilespmem:$0x1A0];
	vm4 =	vlt.u32 v39, $0x3;
	v53 =	vshll.u32 v38, $0x7;
	v31 =	vshll.u32 v41, $0x7  }
0x7f: {  	[tilespmem:$0x680] =	vst v17;
	v17 =	vand.u32 $0x7F, v36;
	v57 =	vshll.u32 v33, $0x7;
	v33 =	vshll.u32 v61, $0x7  }
0x80: {  	[tilespmem:$0x630] =	vst v12;
	v43 =	vshra.s32 v63, $0x7;
	v29 =	vand.u32 $0x7F, v63;
	v12 =	vshll.u32 v52, $0x7  }
0x81: {  	[tilespmem:$0x690] =	vst v18;
	v51 =	vld [tilespmem:$0x390];
	v63 =	vand.u32 $0x7F, v49;
	v18 =	vand.u32 $0x7F, v34;
	v27 =	vadd.s32 v57, v56  }
0x82: {  	v54 =	vld [tilespmem:$0x190];
	v30 =	vadd.s32 v33, v40;
	v45 =	vsub.s32 v43, v0;
	v33 =	vsub.s32 v46, v0  }
0x83: {  	v44 =	vld [tilespmem:$0x3D0];
	v56 =	vshra.s32 v49, $0x7;
	v40 =	vshll.u32 v62, $0x7;
	v43 =	vshra.s32 v34, $0x7  }
0x84: {  	v46 =	vshra.s32 v36, $0x7;
	v27 =	vor.u32 v59, v27;
	v30 =	vor.u32 v32, v30  }
0x85: {  	v37 =	vmul.u32 $0x15400, v45;
	vm5 =	vlt.u32 v45, $0x3;
	v47 =	vmul.u32 $0x15400, v33  }
0x86: {  	[tilespmem:$0x600] =	vst v9;
	vm6 =	vlt.u32 v33, $0x3;
	v58 =	vsub.s32 v56, v0;
	v59 =	vshra.s32 v51, $0x7  }
0x87: {  	[tilespmem:$0x6B0] =	vst v20;
	v39 =	vld [tilespmem:$0x1B0];
	v33 =	vshll.u32 v54, $0x7;
	v45 =	vsub.s32 v43, v0;
	v20 =	vsub.s32 v46, v0  }
0x88: {  	[tilespmem:$0x660] =	vst v15;
	v41 =	vld [tilespmem:$0x1C0];
	v52 =	vshra.s32 v44, $0x7;
	v27 =	vsel vm14, v27, v3;
	v30 =	vsel vm4, v30, v5  }
0x89: {  	[tilespmem:$0x650] =	vst v14;
	v60 =	vmul.u32 $0x15400, v58;
	v14 =	vsub.s32 v59, v0;
	vm8 =	vlt.u32 v58, $0x3  }
0x8a: {  	[tilespmem:$0x670] =	vst v16;
	vm11 =	vlt.u32 v45, $0x3;
	v49 =	vmul.u32 $0x15400, v20;
	vm12 =	vlt.u32 v20, $0x3  }
0x8b: {  	[tilespmem:$0x610] =	vst v10;
	v9 =	vadd.s32 v31, v37;
	v10 =	vadd.s32 v48, v47;
	v61 =	vmul.u32 $0x15400, v14  }
0x8c: {  	[tilespmem:$0x640] =	vst v13;
	v57 =	vld [tilespmem:$0x3A0];
	v37 =	vand.u32 $0x7F, v51;
	vm9 =	vlt.u32 v14, $0x3;
	v47 =	vmul.u32 $0x15400, v45  }
0x8d: {  	[tilespmem:$0x6C0] =	vst v21;
	v48 =	vshll.u32 v39, $0x7;
	v16 =	vshll.u32 v41, $0x7;
	v9 =	vor.u32 v29, v9  }
0x8e: {  	[tilespmem:$0x6A0] =	vst v19;
	v56 =	vld [tilespmem:$0x1F0];
	v29 =	vsub.s32 v50, v0;
	v10 =	vor.u32 v11, v10;
	v12 =	vadd.s32 v12, v60  }
0x8f: {  	[tilespmem:$0x6D0] =	vst v22;
	v16 =	vadd.s32 v16, v49;
	v9 =	vsel vm5, v9, v6;
	v11 =	vmul.u32 $0x15400, v29  }
0x90: {  	[tilespmem:$0x700] =	vst v25;
	v10 =	vsel vm6, v10, v7;
	vm7 =	vlt.u32 v29, $0x3;
	v12 =	vor.u32 v63, v12  }
0x91: {  	[tilespmem:$0x6F0] =	vst v24;
	v51 =	vld [tilespmem:$0x3E0];
	v13 =	vadd.s32 v33, v61;
	v35 =	vshra.s32 v57, $0x7;
	v42 =	vand.u32 $0x7F, v57  }
0x92: {  	[tilespmem:$0x6E0] =	vst v23;
	v12 =	vsel vm8, v12, v1;
	v15 =	vsub.s32 v35, v0;
	v13 =	vor.u32 v37, v13  }
0x93: {  	v50 =	vld [tilespmem:$0x1D0];
	[tilespmem:$0x750] =	vst v9;
	v9 =	vor.u32 v17, v16;
	v62 =	vshll.u32 v56, $0x7;
	v11 =	vadd.s32 v53, v11  }
0x94: {  	[tilespmem:$0x710] =	vst v26;
	v38 =	vmul.u32 $0x15400, v15;
	v13 =	vsel vm9, v13, v2;
	vm10 =	vlt.u32 v15, $0x3  }
0x95: {  	[tilespmem:$0x730] =	vst v28;
	v15 =	vadd.s32 v48, v47;
	v53 =	vld [tilespmem:$0x3F0];
	v9 =	vsel vm12, v9, v5;
	v11 =	vor.u32 v55, v11  }
0x96: {  	[tilespmem:$0x720] =	vst v27;
	v15 =	vor.u32 v18, v15;
	v18 =	vsub.s32 v52, v0;
	v57 =	vshra.s32 v51, $0x7  }
0x97: {  	[tilespmem:$0x740] =	vst v30;
	v55 =	vld [tilespmem:$0x1E0];
	v61 =	vand.u32 $0x7F, v51;
	v11 =	vsel vm7, v11, v8;
	v54 =	vmul.u32 $0x15400, v18  }
0x98: {  	[tilespmem:$0x760] =	vst v10;
	v14 =	vadd.s32 v40, v38;
	v15 =	vsel vm11, v15, v4;
	v10 =	vshll.u32 v50, $0x7  }
0x99: {  	vm13 =	vlt.u32 v18, $0x3;
	[tilespmem:$0x770] =	vst v11;
	v11 =	vand.u32 $0x7F, v44;
	v10 =	vadd.s32 v10, v54  }
0x9a: {  	[tilespmem:$0x780] =	vst v12;
	v10 =	vor.u32 v11, v10;
	v11 =	vsub.s32 v57, v0;
	v58 =	vshra.s32 v53, $0x7  }
0x9b: {  	[tilespmem:$0x790] =	vst v13;
	v14 =	vor.u32 v42, v14;
	v59 =	vmul.u32 $0x15400, v11;
	v12 =	vsub.s32 v58, v0  }
0x9c: {  	[tilespmem:$0x7C0] =	vst v9;
	vm14 =	vlt.u32 v11, $0x3;
	v11 =	vshll.u32 v55, $0x7;
	v60 =	vmul.u32 $0x15400, v12  }
0x9d: {  	[tilespmem:$0x7B0] =	vst v15;
	v14 =	vsel vm10, v14, v3;
	v63 =	vand.u32 $0x7F, v53;
	v11 =	vadd.s32 v11, v59  }
0x9e: {  	[tilespmem:$0x7A0] =	vst v14;
	v10 =	vsel vm13, v10, v6;
	v9 =	vor.u32 v61, v11;
	v11 =	vadd.s32 v62, v60  }
0x9f: {  	[tilespmem:$0x7D0] =	vst v10;
	vm15 =	vlt.u32 v12, $0x3;
	v9 =	vsel vm14, v9, v7;
	v10 =	vor.u32 v63, v11  }
0xa0: {  	[tilespmem:$0x7E0] =	vst v9;
	v9 =	vsel vm15, v10, v8  }
0xa1: {  	[tilespmem:$0x7F0] =	vst v9  }
0xa2: {  	[bflag:$0x0] =	sbarrier.arrive $0xFFFF  }
0xa3: {  	[spmem:s2] =	stream.indirect.scatter.add.f32 [tilespmem:s16], [sflag:$0x1], $0x1, s22, s21, $0xb8;
	[tilespmem:$0x87C8] =	vst v63  }
0xa4: {  	_ =	swait.ge [sflag:s14], $0x80  }
0xa5: {  	[sflag:s14] =	ssyncset.done $0x0  }
0xa6: {  	[sflag:s14] =	ssyncadd.s32 $0xFFFFFF80  }
0xa7: {  	[spmem:s2] =	stream.indirect.scatter.add.f32 [tilespmem:s17], [sflag:$0x1], $0x1, s23, s21, $0xb8;
	[tilespmem:$0x87C8] =	vst v63  }
0xa8: {  	_ =	swait.ge [sflag:s14], $0x80  }
0xa9: {  	[sflag:s14] =	ssyncset.done $0x0  }
0xaa: {  	[sflag:s14] =	ssyncadd.s32 $0xFFFFFF80  }
0xab: {  	[spmem:s2] =	stream.indirect.scatter.add.f32 [tilespmem:s18], [sflag:$0x1], $0x1, s24, s21, $0xb8;
	[tilespmem:$0x87C8] =	vst v63  }
0xac: {  	_ =	swait.ge [sflag:s14], $0x80  }
0xad: {  	[sflag:s14] =	ssyncset.done $0x0  }
0xae: {  	[sflag:s14] =	ssyncadd.s32 $0xFFFFFF80  }
0xaf: {  	[spmem:s2] =	stream.indirect.scatter.add.f32 [tilespmem:s19], [sflag:$0x1], $0x1, s25, s21, $0xb8;
	[tilespmem:$0x87C8] =	vst v63  }
0xb0: {  	_ =	swait.ge [sflag:s14], $0x80  }
0xb1: {  	[sflag:s14] =	ssyncset.done $0x0  }
0xb2: {  	[sflag:s14] =	ssyncadd.s32 $0xFFFFFF80  }
0xb3: {  	[bflag:$0x0] =	sbarrier.arrive $0xFFFF  }
0xb4: {  	[tilespmem:s20], [sflag:$0x1] =	stream.linear.gather [spmem:s11], $0x3FC0, $0x38;
	[tilespmem:$0x87C8] =	vst v63  }
0xb5: {  	_ =	swait.ge [sflag:s14], $0x3FC0  }
0xb6: {  	p0 =	sne.s32 s13, $0x1;
	[sflag:s14] =	ssyncset.done $0x0  }
.Ltmp0:
0xb7: {  	[sflag:s14] =	ssyncadd.s32 $0xFFFFC040;
	(pc) =	sbr.rel @p0 .LBB2_1-.Ltmp0, $4  }
0xb8: {  	[hbm4b:s12+s3] =	stream.linear.scatter [tilespmem:s20], [sflag:$0x1], $0x3FC0, $0x38;
	[tilespmem:$0x87C8] =	vst v63  }
0xb9: {  	_ =	swait.ge [sflag:s14], $0x3FC0  }
0xba: {  	[sflag:s14] =	ssyncset.done $0x0  }
0xbb: {  	s13 =	sadd.s32 $0xFFFFFFFF, s13;
	[sflag:s14] =	ssyncadd.s32 $0xFFFFC040  }
0xbc: {  	_ =	sfence.sel $0x180000  }
0xbd: {  	[bflag:$0x0] =	sbarrier.arrive $0xFFFF  }
0xbe: {  	p0 =	sne.s32 s1, $0x0;
	_ =	strace $0x90000047  }
0xbf: {  	s0 =	sadd.s32 @!p0 $0x100000, s0;
	[bflag:$0x2] =	sbarrier.arrive $0xFFFF  }
0xc0: {  	[sflag:s0] =	ssyncadd.tile.s32 @!p0 $0x1;
	_ =	shalt  }
.Lfunc_end2:
_tile_overlayer_lowered:
.L_overlay_start_2:
0xc1: {  	(tag) =	ssettag $0x2  }
0xc2: {  	s0 =	rddreg [dreg:$0x0];
	s2 =	stileid.u32  }
0xc3: {  	s1 =	rddreg [dreg:$0x1];
	p0 =	sne.s32 s2, $0x0  }
0xc4: {  	s3 =	rddreg [dreg:$0x2];
	[bflag:$0x3] =	sbarrier.arrive $0xFFFF;
	s2 =	simm.s32 @!p0 $0x1C01  }
0xc5: {  	[timem:s3], [sflag:s2] =	dma.local @!p0 [hbm:s0], s1  }
0xc6: {  	s0 =	simm.s32 @!p0 $0x1  }
0xc7: {  	_ =	swait.ge @!p0 [sflag:s0], s1  }
0xc8: {  	s1 =	ssub.s32 @!p0 $0x0, s1;
	[sflag:s0] =	ssyncset.done @!p0 $0x0  }
0xc9: {  	[sflag:s0] =	ssyncadd.s32 @!p0 s1  }
0xca: {  	[bflag:$0x3] =	sbarrier.arrive $0xFFFF  }
0xcb: {  	_ =	shalt  }

</sc_bundles>
